<compile_context>
chip_gen: v7x
topology: tpu7x:2x2x1
jax: 0.10.2.dev20260603
libtpu: 0.0.44.dev20260713+nightly
codegen_flags: <defaults>
</compile_context>

<pallas_src>
import functools

import jax
import jax.numpy as jnp
from jax import lax
from jax.experimental import pallas as pl
from jax.experimental.pallas import tpu as pltpu
from jax.experimental.pallas import tpu_sc as plsc

N = 10000
D = 128
E = 320000
NC = 2
NS = 16
NW = NC * NS
EPW = E // NW
ECHUNK = 128
NFULL = EPW // ECHUNK
ETAIL = EPW - NFULL * ECHUNK
RCH = 128
NRC = N // RCH
RTAIL = N - NRC * RCH
GCHUNK = 80
GN = N // GCHUNK

_mesh = plsc.VectorSubcoreMesh(core_axis_name="c", subcore_axis_name="s")


def _worker_ids():
    cid = lax.axis_index("c")
    sid = lax.axis_index("s")
    return cid, sid, cid * NS + sid


def _fill_rows(ref, nrows, ncols16, value):
    vec = jnp.full((16,), value, jnp.float32)

    def body(j, carry):
        for c in range(ncols16):
            ref[j, pl.ds(c * 16, 16)] = vec
        return carry

    lax.fori_loop(0, nrows, body, None)


def _rows_foreach(sid, fn_full, fn_tail):

    def body(i, carry):
        c = sid + i * NS

        @pl.when(c < NRC)
        def _():
            fn_full(c * RCH)

        @pl.when(c == NRC)
        def _():
            fn_tail(NRC * RCH)

        return carry

    lax.fori_loop(0, (NRC + NS) // NS, body, None)


def _sc_prep_body(dst_hbm, fidx_hbm, emb_hbm, hist_hbm, e0_hbm,
                  zb, ones_v, dsti, dsti_t, fidx_v, grows, hist_s, sem):
    cid, sid, wid = _worker_ids()

    _fill_rows(ones_v, ECHUNK, 1, 1.0)
    _fill_rows(zb, RCH, 1, 0.0)

    _rows_foreach(
        sid,
        lambda off: pltpu.sync_copy(zb, hist_s.at[pl.ds(off, RCH)]),
        lambda off: pltpu.sync_copy(zb.at[pl.ds(0, RTAIL)],
                                    hist_s.at[pl.ds(off, RTAIL)]),
    )
    plsc.subcore_barrier()

    def gbody(i, carry):
        c = wid + i * NW

        @pl.when(c < GN)
        def _():
            off = c * GCHUNK
            pltpu.sync_copy(fidx_hbm.at[pl.ds(off, GCHUNK)], fidx_v)
            pltpu.async_copy(emb_hbm.at[fidx_v], grows, sem).wait()
            pltpu.sync_copy(grows, e0_hbm.at[pl.ds(off, GCHUNK)])

        return carry

    lax.fori_loop(0, (GN + NW - 1) // NW, gbody, None)

    base = wid * EPW

    def hbody(i, carry):
        off = base + i * ECHUNK
        pltpu.sync_copy(dst_hbm.at[pl.ds(off, ECHUNK)], dsti)
        pltpu.sync_copy(ones_v, hist_s.at[dsti], add=True)
        return carry

    lax.fori_loop(0, NFULL, hbody, None)
    pltpu.sync_copy(dst_hbm.at[pl.ds(base + NFULL * ECHUNK, ETAIL)], dsti_t)
    pltpu.sync_copy(ones_v.at[pl.ds(0, ETAIL)], hist_s.at[dsti_t], add=True)

    plsc.subcore_barrier()
    _rows_foreach(
        sid,
        lambda off: pltpu.sync_copy(hist_s.at[pl.ds(off, RCH)],
                                    hist_hbm.at[cid, pl.ds(off, RCH)]),
        lambda off: pltpu.sync_copy(hist_s.at[pl.ds(off, RTAIL)],
                                    hist_hbm.at[cid, pl.ds(off, RTAIL)]),
    )


_sc_prep = pl.kernel(
    _sc_prep_body,
    out_type=(
        jax.ShapeDtypeStruct((NC, N, 16), jnp.float32),
        jax.ShapeDtypeStruct((N, D), jnp.float32),
    ),
    mesh=_mesh,
    scratch_types=[
        pltpu.VMEM((RCH, 16), jnp.float32),
        pltpu.VMEM((ECHUNK, 16), jnp.float32),
        pltpu.VMEM((ECHUNK,), jnp.int32),
        pltpu.VMEM((ETAIL,), jnp.int32),
        pltpu.VMEM((GCHUNK,), jnp.int32),
        pltpu.VMEM((GCHUNK, D), jnp.float32),
        pltpu.VMEM_SHARED((N, 16), jnp.float32),
        pltpu.SemaphoreType.DMA,
    ],
)


def _sc_edge_body(src_hbm, dst_hbm, y_hbm, parts_hbm,
                  src_i, dst_i, src_t, dst_t, rows, rows_t, zrow, acc, sem):
    cid, sid, wid = _worker_ids()

    _fill_rows(zrow, RCH, D // 16, 0.0)
    _rows_foreach(
        sid,
        lambda off: pltpu.sync_copy(zrow, acc.at[pl.ds(off, RCH)]),
        lambda off: pltpu.sync_copy(zrow.at[pl.ds(0, RTAIL)],
                                    acc.at[pl.ds(off, RTAIL)]),
    )
    plsc.subcore_barrier()

    base = wid * EPW

    def ebody(i, carry):
        off = base + i * ECHUNK
        pltpu.sync_copy(src_hbm.at[pl.ds(off, ECHUNK)], src_i)
        pltpu.sync_copy(dst_hbm.at[pl.ds(off, ECHUNK)], dst_i)
        pltpu.async_copy(y_hbm.at[src_i], rows, sem).wait()
        pltpu.sync_copy(rows, acc.at[dst_i], add=True)
        return carry

    lax.fori_loop(0, NFULL, ebody, None)

    off = base + NFULL * ECHUNK
    pltpu.sync_copy(src_hbm.at[pl.ds(off, ETAIL)], src_t)
    pltpu.sync_copy(dst_hbm.at[pl.ds(off, ETAIL)], dst_t)
    pltpu.async_copy(y_hbm.at[src_t], rows_t, sem).wait()
    pltpu.sync_copy(rows_t, acc.at[dst_t], add=True)

    plsc.subcore_barrier()
    _rows_foreach(
        sid,
        lambda off: pltpu.sync_copy(acc.at[pl.ds(off, RCH)],
                                    parts_hbm.at[cid, pl.ds(off, RCH)]),
        lambda off: pltpu.sync_copy(acc.at[pl.ds(off, RTAIL)],
                                    parts_hbm.at[cid, pl.ds(off, RTAIL)]),
    )


_sc_edge = pl.kernel(
    _sc_edge_body,
    out_type=jax.ShapeDtypeStruct((NC, N, D), jnp.float32),
    mesh=_mesh,
    scratch_types=[
        pltpu.VMEM((ECHUNK,), jnp.int32),
        pltpu.VMEM((ECHUNK,), jnp.int32),
        pltpu.VMEM((ETAIL,), jnp.int32),
        pltpu.VMEM((ETAIL,), jnp.int32),
        pltpu.VMEM((ECHUNK, D), jnp.float32),
        pltpu.VMEM((ETAIL, D), jnp.float32),
        pltpu.VMEM((RCH, D), jnp.float32),
        pltpu.VMEM_SHARED((N, D), jnp.float32),
        pltpu.SemaphoreType.DMA,
    ],
)


RB = 2000
GRID = N // RB


def _tc_a_body(deg_ref, e0_ref, w1_ref, out_ref):
    z = jnp.dot(e0_ref[...], w1_ref[...],
                preferred_element_type=jnp.float32,
                precision=lax.Precision.HIGHEST)
    out_ref[...] = lax.rsqrt(deg_ref[...]) * z


def _tc_b_body(deg_ref, parts_ref, y1_ref, b1_ref, w2_ref, out_ref):
    dinv = lax.rsqrt(deg_ref[...])
    pr = parts_ref[...]
    s = pr[0] + pr[1] + y1_ref[...]
    t = jnp.maximum(dinv * s + b1_ref[...], 0.0)
    z2 = jnp.dot(t, w2_ref[...],
                 preferred_element_type=jnp.float32,
                 precision=lax.Precision.HIGHEST)
    out_ref[...] = dinv * z2


def _tc_c_body(deg_ref, parts_ref, y2_ref, b2_ref, out_ref):
    dinv = lax.rsqrt(deg_ref[...])
    pr = parts_ref[...]
    s = pr[0] + pr[1] + y2_ref[...]
    out_ref[...] = dinv * s + b2_ref[...]


_parts_spec = pl.BlockSpec((NC, RB, D), lambda i: (0, i, 0))
_row_spec = pl.BlockSpec((RB, D), lambda i: (i, 0))
_w_spec = pl.BlockSpec((D, D), lambda i: (0, 0))
_b_spec = pl.BlockSpec((1, D), lambda i: (0, 0))
_out_sds = jax.ShapeDtypeStruct((N, D), jnp.float32)

_tc_a = pl.pallas_call(
    _tc_a_body, grid=(GRID,),
    in_specs=[_row_spec, _row_spec, _w_spec],
    out_specs=_row_spec, out_shape=_out_sds,
)
_tc_b = pl.pallas_call(
    _tc_b_body, grid=(GRID,),
    in_specs=[_row_spec, _parts_spec, _row_spec, _b_spec, _w_spec],
    out_specs=_row_spec, out_shape=_out_sds,
)
_tc_c = pl.pallas_call(
    _tc_c_body, grid=(GRID,),
    in_specs=[_row_spec, _parts_spec, _row_spec, _b_spec],
    out_specs=_row_spec, out_shape=_out_sds,
)


@jax.jit
def kernel(feat_idx, edge_list, emb_table, W1, b1, W2, b2):
    feat_idx = feat_idx.astype(jnp.int32)
    src = edge_list[0].astype(jnp.int32)
    dst = edge_list[1].astype(jnp.int32)
    b1 = b1.reshape(1, D)
    b2 = b2.reshape(1, D)

    hist, e0 = _sc_prep(dst, feat_idx, emb_table)
    deg2 = jnp.broadcast_to(hist[0, :, 0:1] + hist[1, :, 0:1] + 1.0, (N, D))
    y1 = _tc_a(deg2, e0, W1)
    p1 = _sc_edge(src, dst, y1)
    y2 = _tc_b(deg2, p1, y1, b1, W2)
    p2 = _sc_edge(src, dst, y2)
    return _tc_c(deg2, p2, y2, b2)

# --- scband reference (transcript-rebuilt; emitter-appended) ---
"""Pipeline reference for scband-gcn-67336497266833 (READ-ONLY COPY).

The authoritative reference and input builder live on the scoring server;
editing this copy changes nothing except your own understanding.
"""

import jax, jax.numpy as jnp
import numpy as np

NUM_NODES = 10000
D_IN = 128
D_HID = 128
D_OUT = 128
N_EDGES = 320000


def gcn_conv(x, src, dst, W, b, num_nodes):
    # x: [N, d_in], W: [d_in, d_out], b: [d_out]
    x = x @ W
    # add self loops
    loop = jnp.arange(num_nodes, dtype=src.dtype)
    src_full = jnp.concatenate([src, loop])
    dst_full = jnp.concatenate([dst, loop])
    ew = jnp.ones(src_full.shape[0], dtype=x.dtype)
    # symmetric normalization D^{-1/2} (A+I) D^{-1/2}
    deg = jax.ops.segment_sum(ew, dst_full, num_segments=num_nodes)
    dinv = jnp.where(deg > 0, deg ** -0.5, 0.0)
    norm = dinv[src_full] * dinv[dst_full]
    msgs = x[src_full] * norm[:, None]
    out = jax.ops.segment_sum(msgs, dst_full, num_segments=num_nodes)
    return out + b


def setup_inputs(seed: int = 0) -> dict:
    key = jax.random.key(seed)
    k1, k2, k3, k4, k5 = jax.random.split(key, 5)
    feat_idx = jax.random.randint(k1, (NUM_NODES,), 0, NUM_NODES, dtype=jnp.int64 if jax.config.jax_enable_x64 else jnp.int32)
    edge_list = jax.random.randint(k2, (2, N_EDGES), 0, NUM_NODES, dtype=jnp.int64 if jax.config.jax_enable_x64 else jnp.int32)
    emb_table = jax.random.normal(k3, (NUM_NODES, D_IN), dtype=jnp.float32)
    W1 = jax.random.normal(k4, (D_IN, D_HID), dtype=jnp.float32) * (1.0 / np.sqrt(D_IN))
    b1 = jnp.zeros((D_HID,), dtype=jnp.float32)
    W2 = jax.random.normal(k5, (D_HID, D_OUT), dtype=jnp.float32) * (1.0 / np.sqrt(D_HID))
    b2 = jnp.zeros((D_OUT,), dtype=jnp.float32)
    return {"feat_idx": feat_idx, "edge_list": edge_list, "emb_table": emb_table,
            "W1": W1, "b1": b1, "W2": W2, "b2": b2}


def reference(feat_idx, edge_list, emb_table, W1, b1, W2, b2):
    # embedding lookup
    node_embeddings = jnp.take(emb_table, feat_idx, axis=0)
    src = edge_list[0]
    dst = edge_list[1]
    h = gcn_conv(node_embeddings, src, dst, W1, b1, NUM_NODES)
    h = jax.nn.relu(h)
    h = gcn_conv(h, src, dst, W2, b2, NUM_NODES)
    return h

if __name__ == "__main__":
    import jax
    _d = setup_inputs()
    print(jax.jit(kernel)(*tuple(_d.values())))

</pallas_src>

<mosaic_0001>
#map = affine_map<(d0, d1) -> (0)>
#map1 = affine_map<(d0, d1) -> (0, 0)>
#map2 = affine_map<(d0, d1) -> (0, 0, 0)>
module attributes {stable_mosaic.version = 14 : i64} {
  func.func @_sc_edge_body(%arg0: i32, %arg1: i32, %arg2: memref<320000xi32, #tpu.memory_space<hbm>>, %arg3: memref<320000xi32, #tpu.memory_space<hbm>>, %arg4: memref<10000x128xf32, #tpu.memory_space<hbm>>, %arg5: memref<2x10000x128xf32, #tpu.memory_space<hbm>>, %arg6: memref<128xi32, #tpu.memory_space<vmem>>, %arg7: memref<128xi32, #tpu.memory_space<vmem>>, %arg8: memref<16xi32, #tpu.memory_space<vmem>>, %arg9: memref<16xi32, #tpu.memory_space<vmem>>, %arg10: memref<128x128xf32, #tpu.memory_space<vmem>>, %arg11: memref<16x128xf32, #tpu.memory_space<vmem>>, %arg12: memref<128x128xf32, #tpu.memory_space<vmem>>, %arg13: memref<10000x128xf32, #tpu.memory_space<vmem_shared>>, %arg14: memref<!tpu.dma_semaphore, #tpu.memory_space<semaphore_mem>>) attributes {dimension_semantics = [#tpu.dimension_semantics<core_parallel>, #tpu.dimension_semantics<subcore_parallel>], iteration_bounds = array<i64: 2, 16>, scalar_prefetch = 0 : i64, scratch_operands = 9 : i64, tpu.core_type = #tpu.core_type<sc_vector_subcore>, window_params = [{transform_indices = #map}, {transform_indices = #map}, {transform_indices = #map1}, {transform_indices = #map2}]} {
    %mul3A = arith.constant 16 : i32
    %mul3A_0 = arith.muli %arg0, %mul3A : i32
    %add3A = arith.addi %mul3A_0, %arg1 : i32
    %broadcast_in_dim3A = arith.constant 0.000000e+00 : f32
    %broadcast_in_dim3A_1 = vector.broadcast %broadcast_in_dim3A : f32 to vector<16xf32>
    %scan3A = arith.constant 0 : i32
    %scan3A_2 = arith.constant 128 : i32
    %scan3A_3 = arith.addi %scan3A, %scan3A_2 : i32
    %scan3A_4 = arith.constant 1 : i32
    scf.for %scan3A_30 = %scan3A to %scan3A_3 step %scan3A_4  : i32 {
      %swap3A = arith.index_cast %scan3A_30 : i32 to index
      %swap3A_31 = arith.constant 0 : index
      %swap3A_32 = tpu.vector_load %arg12[%swap3A, %swap3A_31] {strides = array<i32>} : memref<128x128xf32, #tpu.memory_space<vmem>>, vector<1x16xf32>,
      %swap3A_33 = vector.shape_cast %swap3A_32 : vector<1x16xf32> to vector<16xf32>
      %swap3A_34 = vector.shape_cast %broadcast_in_dim3A_1 : vector<16xf32> to vector<1x16xf32>
      tpu.vector_store %arg12[%swap3A, %swap3A_31], %swap3A_34 {strides = array<i32>} : memref<128x128xf32, #tpu.memory_space<vmem>>, vector<1x16xf32>,
      %swap3A_35 = arith.index_cast %scan3A_30 : i32 to index
      %swap3A_36 = arith.constant 16 : index
      %swap3A_37 = tpu.vector_load %arg12[%swap3A_35, %swap3A_36] {strides = array<i32>} : memref<128x128xf32, #tpu.memory_space<vmem>>, vector<1x16xf32>,
      %swap3A_38 = vector.shape_cast %swap3A_37 : vector<1x16xf32> to vector<16xf32>
      %swap3A_39 = vector.shape_cast %broadcast_in_dim3A_1 : vector<16xf32> to vector<1x16xf32>
      tpu.vector_store %arg12[%swap3A_35, %swap3A_36], %swap3A_39 {strides = array<i32>} : memref<128x128xf32, #tpu.memory_space<vmem>>, vector<1x16xf32>,
      %swap3A_40 = arith.index_cast %scan3A_30 : i32 to index
      %swap3A_41 = arith.constant 32 : index
      %swap3A_42 = tpu.vector_load %arg12[%swap3A_40, %swap3A_41] {strides = array<i32>} : memref<128x128xf32, #tpu.memory_space<vmem>>, vector<1x16xf32>,
      %swap3A_43 = vector.shape_cast %swap3A_42 : vector<1x16xf32> to vector<16xf32>
      %swap3A_44 = vector.shape_cast %broadcast_in_dim3A_1 : vector<16xf32> to vector<1x16xf32>
      tpu.vector_store %arg12[%swap3A_40, %swap3A_41], %swap3A_44 {strides = array<i32>} : memref<128x128xf32, #tpu.memory_space<vmem>>, vector<1x16xf32>,
      %swap3A_45 = arith.index_cast %scan3A_30 : i32 to index
      %swap3A_46 = arith.constant 48 : index
      %swap3A_47 = tpu.vector_load %arg12[%swap3A_45, %swap3A_46] {strides = array<i32>} : memref<128x128xf32, #tpu.memory_space<vmem>>, vector<1x16xf32>,
      %swap3A_48 = vector.shape_cast %swap3A_47 : vector<1x16xf32> to vector<16xf32>
      %swap3A_49 = vector.shape_cast %broadcast_in_dim3A_1 : vector<16xf32> to vector<1x16xf32>
      tpu.vector_store %arg12[%swap3A_45, %swap3A_46], %swap3A_49 {strides = array<i32>} : memref<128x128xf32, #tpu.memory_space<vmem>>, vector<1x16xf32>,
      %swap3A_50 = arith.index_cast %scan3A_30 : i32 to index
      %swap3A_51 = arith.constant 64 : index
      %swap3A_52 = tpu.vector_load %arg12[%swap3A_50, %swap3A_51] {strides = array<i32>} : memref<128x128xf32, #tpu.memory_space<vmem>>, vector<1x16xf32>,
      %swap3A_53 = vector.shape_cast %swap3A_52 : vector<1x16xf32> to vector<16xf32>
      %swap3A_54 = vector.shape_cast %broadcast_in_dim3A_1 : vector<16xf32> to vector<1x16xf32>
      tpu.vector_store %arg12[%swap3A_50, %swap3A_51], %swap3A_54 {strides = array<i32>} : memref<128x128xf32, #tpu.memory_space<vmem>>, vector<1x16xf32>,
      %swap3A_55 = arith.index_cast %scan3A_30 : i32 to index
      %swap3A_56 = arith.constant 80 : index
      %swap3A_57 = tpu.vector_load %arg12[%swap3A_55, %swap3A_56] {strides = array<i32>} : memref<128x128xf32, #tpu.memory_space<vmem>>, vector<1x16xf32>,
      %swap3A_58 = vector.shape_cast %swap3A_57 : vector<1x16xf32> to vector<16xf32>
      %swap3A_59 = vector.shape_cast %broadcast_in_dim3A_1 : vector<16xf32> to vector<1x16xf32>
      tpu.vector_store %arg12[%swap3A_55, %swap3A_56], %swap3A_59 {strides = array<i32>} : memref<128x128xf32, #tpu.memory_space<vmem>>, vector<1x16xf32>,
      %swap3A_60 = arith.index_cast %scan3A_30 : i32 to index
      %swap3A_61 = arith.constant 96 : index
      %swap3A_62 = tpu.vector_load %arg12[%swap3A_60, %swap3A_61] {strides = array<i32>} : memref<128x128xf32, #tpu.memory_space<vmem>>, vector<1x16xf32>,
      %swap3A_63 = vector.shape_cast %swap3A_62 : vector<1x16xf32> to vector<16xf32>
      %swap3A_64 = vector.shape_cast %broadcast_in_dim3A_1 : vector<16xf32> to vector<1x16xf32>
      tpu.vector_store %arg12[%swap3A_60, %swap3A_61], %swap3A_64 {strides = array<i32>} : memref<128x128xf32, #tpu.memory_space<vmem>>, vector<1x16xf32>,
      %swap3A_65 = arith.index_cast %scan3A_30 : i32 to index
      %swap3A_66 = arith.constant 112 : index
      %swap3A_67 = tpu.vector_load %arg12[%swap3A_65, %swap3A_66] {strides = array<i32>} : memref<128x128xf32, #tpu.memory_space<vmem>>, vector<1x16xf32>,
      %swap3A_68 = vector.shape_cast %swap3A_67 : vector<1x16xf32> to vector<16xf32>
      %swap3A_69 = vector.shape_cast %broadcast_in_dim3A_1 : vector<16xf32> to vector<1x16xf32>
      tpu.vector_store %arg12[%swap3A_65, %swap3A_66], %swap3A_69 {strides = array<i32>} : memref<128x128xf32, #tpu.memory_space<vmem>>, vector<1x16xf32>,
    }
    %scan3A_5 = arith.constant 128 : i32
    %scan3A_6 = arith.constant 0 : i32
    %scan3A_7 = arith.constant 5 : i32
    %scan3A_8 = arith.addi %scan3A_6, %scan3A_7 : i32
    %scan3A_9 = arith.constant 1 : i32
    scf.for %scan3A_30 = %scan3A_6 to %scan3A_8 step %scan3A_9  : i32 {
      %mul3A_31 = arith.constant 16 : i32
      %mul3A_32 = arith.muli %scan3A_30, %mul3A_31 : i32
      %add3A_33 = arith.addi %arg1, %mul3A_32 : i32
      %lt3A = arith.constant 78 : i32
      %lt3A_34 = arith.cmpi slt, %add3A_33, %lt3A : i32
      %convert_element_type3A = arith.extui %lt3A_34 : i1 to i32
      %cond3A = arith.constant 0 : i32
      %cond3A_35 = arith.cmpi ne, %convert_element_type3A, %cond3A : i32
      scf.if %cond3A_35 {
        %mul3A_40 = arith.constant 128 : i32
        %mul3A_41 = arith.muli %add3A_33, %mul3A_40 : i32
        "tpu.region"() ({
          %run_scoped3A = tpu.sem_alloc : memref<!tpu.dma_semaphore, #tpu.memory_space<semaphore_mem>>
          %dma_start3A_42 = arith.constant 0 : i32
          %dma_start3A_43 = tpu.memref_slice %arg13[%mul3A_41, %dma_start3A_42] : memref<10000x128xf32, #tpu.memory_space<vmem_shared>> -> memref<128x128xf32, #tpu.memory_space<vmem_shared>>
          %dma_start3A_44 = arith.constant 0 : i32
          %dma_start3A_45 = tpu.memref_slice %arg13[%mul3A_41, %dma_start3A_44] : memref<10000x128xf32, #tpu.memory_space<vmem_shared>> -> memref<128x128xf32, #tpu.memory_space<vmem_shared>>
          tpu.enqueue_dma source(%arg12 : memref<128x128xf32, #tpu.memory_space<vmem>>) target(%dma_start3A_45 : memref<128x128xf32, #tpu.memory_space<vmem_shared>>) target_semaphore(%run_scoped3A : memref<!tpu.dma_semaphore, #tpu.memory_space<semaphore_mem>>)
          %dma_wait3A_46 = arith.constant 0 : i32
          %dma_wait3A_47 = tpu.memref_slice %arg13[%mul3A_41, %dma_wait3A_46] : memref<10000x128xf32, #tpu.memory_space<vmem_shared>> -> memref<128x128xf32, #tpu.memory_space<vmem_shared>>
          %dma_wait3A_48 = arith.constant 0 : i32
          %dma_wait3A_49 = tpu.memref_slice %arg13[%mul3A_41, %dma_wait3A_48] : memref<10000x128xf32, #tpu.memory_space<vmem_shared>> -> memref<128x128xf32, #tpu.memory_space<vmem_shared>>
          tpu.wait_dma2 semaphore(%run_scoped3A : memref<!tpu.dma_semaphore, #tpu.memory_space<semaphore_mem>>) src(%arg12 : memref<128x128xf32, #tpu.memory_space<vmem>>) dst(%dma_wait3A_49 : memref<128x128xf32, #tpu.memory_space<vmem_shared>>)
          tpu.yield
        }) : () -> ()
      } else {
      }
      %eq3A = arith.constant 78 : i32
      %eq3A_36 = arith.cmpi eq, %add3A_33, %eq3A : i32
      %convert_element_type3A_37 = arith.extui %eq3A_36 : i1 to i32
      %cond3A_38 = arith.constant 0 : i32
      %cond3A_39 = arith.cmpi ne, %convert_element_type3A_37, %cond3A_38 : i32
      scf.if %cond3A_39 {
        "tpu.region"() ({
          %run_scoped3A = tpu.sem_alloc : memref<!tpu.dma_semaphore, #tpu.memory_space<semaphore_mem>>
          %dma_start3A_40 = arith.constant 0 : i32
          %dma_start3A_41 = arith.constant 0 : i32
          %dma_start3A_42 = tpu.memref_slice %arg12[%dma_start3A_40, %dma_start3A_41] : memref<128x128xf32, #tpu.memory_space<vmem>> -> memref<16x128xf32, #tpu.memory_space<vmem>>
          %dma_start3A_43 = arith.constant 9984 : i32
          %dma_start3A_44 = arith.constant 0 : i32
          %dma_start3A_45 = tpu.memref_slice %arg13[%dma_start3A_43, %dma_start3A_44] : memref<10000x128xf32, #tpu.memory_space<vmem_shared>> -> memref<16x128xf32, #tpu.memory_space<vmem_shared>>
          %dma_start3A_46 = arith.constant 9984 : i32
          %dma_start3A_47 = arith.constant 0 : i32
          %dma_start3A_48 = tpu.memref_slice %arg13[%dma_start3A_46, %dma_start3A_47] : memref<10000x128xf32, #tpu.memory_space<vmem_shared>> -> memref<16x128xf32, #tpu.memory_space<vmem_shared>>
          %dma_start3A_49 = arith.constant 0 : i32
          %dma_start3A_50 = arith.constant 0 : i32
          %dma_start3A_51 = tpu.memref_slice %arg12[%dma_start3A_49, %dma_start3A_50] : memref<128x128xf32, #tpu.memory_space<vmem>> -> memref<16x128xf32, #tpu.memory_space<vmem>>
          tpu.enqueue_dma source(%dma_start3A_51 : memref<16x128xf32, #tpu.memory_space<vmem>>) target(%dma_start3A_48 : memref<16x128xf32, #tpu.memory_space<vmem_shared>>) target_semaphore(%run_scoped3A : memref<!tpu.dma_semaphore, #tpu.memory_space<semaphore_mem>>)
          %dma_wait3A_52 = arith.constant 0 : i32
          %dma_wait3A_53 = arith.constant 0 : i32
          %dma_wait3A_54 = tpu.memref_slice %arg12[%dma_wait3A_52, %dma_wait3A_53] : memref<128x128xf32, #tpu.memory_space<vmem>> -> memref<16x128xf32, #tpu.memory_space<vmem>>
          %dma_wait3A_55 = arith.constant 9984 : i32
          %dma_wait3A_56 = arith.constant 0 : i32
          %dma_wait3A_57 = tpu.memref_slice %arg13[%dma_wait3A_55, %dma_wait3A_56] : memref<10000x128xf32, #tpu.memory_space<vmem_shared>> -> memref<16x128xf32, #tpu.memory_space<vmem_shared>>
          %dma_wait3A_58 = arith.constant 9984 : i32
          %dma_wait3A_59 = arith.constant 0 : i32
          %dma_wait3A_60 = tpu.memref_slice %arg13[%dma_wait3A_58, %dma_wait3A_59] : memref<10000x128xf32, #tpu.memory_space<vmem_shared>> -> memref<16x128xf32, #tpu.memory_space<vmem_shared>>
          %dma_wait3A_61 = arith.constant 0 : i32
          %dma_wait3A_62 = arith.constant 0 : i32
          %dma_wait3A_63 = tpu.memref_slice %arg12[%dma_wait3A_61, %dma_wait3A_62] : memref<128x128xf32, #tpu.memory_space<vmem>> -> memref<16x128xf32, #tpu.memory_space<vmem>>
          tpu.wait_dma2 semaphore(%run_scoped3A : memref<!tpu.dma_semaphore, #tpu.memory_space<semaphore_mem>>) src(%dma_wait3A_63 : memref<16x128xf32, #tpu.memory_space<vmem>>) dst(%dma_wait3A_60 : memref<16x128xf32, #tpu.memory_space<vmem_shared>>)
          tpu.yield
        }) : () -> ()
      } else {
      }
    }
    %scan3A_10 = arith.constant 5 : i32
    %barrier3A = arith.constant 0 : index
    tpu.barrier barrier_id(%barrier3A)
    %mul3A_11 = arith.constant 10000 : i32
    %mul3A_12 = arith.muli %add3A, %mul3A_11 : i32
    %scan3A_13 = arith.constant 0 : i32
    %scan3A_14 = arith.constant 78 : i32
    %scan3A_15 = arith.addi %scan3A_13, %scan3A_14 : i32
    %scan3A_16 = arith.constant 1 : i32
    scf.for %scan3A_30 = %scan3A_13 to %scan3A_15 step %scan3A_16  : i32 {
      %mul3A_31 = arith.constant 128 : i32
      %mul3A_32 = arith.muli %scan3A_30, %mul3A_31 : i32
      %add3A_33 = arith.addi %mul3A_12, %mul3A_32 : i32
      "tpu.region"() ({
        %run_scoped3A = tpu.sem_alloc : memref<!tpu.dma_semaphore, #tpu.memory_space<semaphore_mem>>
        %dma_start3A_40 = tpu.memref_slice %arg2[%add3A_33] : memref<320000xi32, #tpu.memory_space<hbm>> -> memref<128xi32, #tpu.memory_space<hbm>>
        %dma_start3A_41 = tpu.memref_slice %arg2[%add3A_33] : memref<320000xi32, #tpu.memory_space<hbm>> -> memref<128xi32, #tpu.memory_space<hbm>>
        tpu.enqueue_dma source(%dma_start3A_41 : memref<128xi32, #tpu.memory_space<hbm>>) target(%arg6 : memref<128xi32, #tpu.memory_space<vmem>>) target_semaphore(%run_scoped3A : memref<!tpu.dma_semaphore, #tpu.memory_space<semaphore_mem>>)
        %dma_wait3A_42 = tpu.memref_slice %arg2[%add3A_33] : memref<320000xi32, #tpu.memory_space<hbm>> -> memref<128xi32, #tpu.memory_space<hbm>>
        %dma_wait3A_43 = tpu.memref_slice %arg2[%add3A_33] : memref<320000xi32, #tpu.memory_space<hbm>> -> memref<128xi32, #tpu.memory_space<hbm>>
        tpu.wait_dma2 semaphore(%run_scoped3A : memref<!tpu.dma_semaphore, #tpu.memory_space<semaphore_mem>>) src(%dma_wait3A_43 : memref<128xi32, #tpu.memory_space<hbm>>) dst(%arg6 : memref<128xi32, #tpu.memory_space<vmem>>)
        tpu.yield
      }) : () -> ()
      "tpu.region"() ({
        %run_scoped3A = tpu.sem_alloc : memref<!tpu.dma_semaphore, #tpu.memory_space<semaphore_mem>>
        %dma_start3A_40 = tpu.memref_slice %arg3[%add3A_33] : memref<320000xi32, #tpu.memory_space<hbm>> -> memref<128xi32, #tpu.memory_space<hbm>>
        %dma_start3A_41 = tpu.memref_slice %arg3[%add3A_33] : memref<320000xi32, #tpu.memory_space<hbm>> -> memref<128xi32, #tpu.memory_space<hbm>>
        tpu.enqueue_dma source(%dma_start3A_41 : memref<128xi32, #tpu.memory_space<hbm>>) target(%arg7 : memref<128xi32, #tpu.memory_space<vmem>>) target_semaphore(%run_scoped3A : memref<!tpu.dma_semaphore, #tpu.memory_space<semaphore_mem>>)
        %dma_wait3A_42 = tpu.memref_slice %arg3[%add3A_33] : memref<320000xi32, #tpu.memory_space<hbm>> -> memref<128xi32, #tpu.memory_space<hbm>>
        %dma_wait3A_43 = tpu.memref_slice %arg3[%add3A_33] : memref<320000xi32, #tpu.memory_space<hbm>> -> memref<128xi32, #tpu.memory_space<hbm>>
        tpu.wait_dma2 semaphore(%run_scoped3A : memref<!tpu.dma_semaphore, #tpu.memory_space<semaphore_mem>>) src(%dma_wait3A_43 : memref<128xi32, #tpu.memory_space<hbm>>) dst(%arg7 : memref<128xi32, #tpu.memory_space<vmem>>)
        tpu.yield
      }) : () -> ()
      %dma_start3A_34 = arith.constant 0 : i32
      %dma_start3A_35 = arith.constant 0 : i32
      %dma_start3A_36 = tpu.memref_slice %arg4[%dma_start3A_34, %dma_start3A_35] : memref<10000x128xf32, #tpu.memory_space<hbm>> -> memref<10000x128xf32, #tpu.memory_space<hbm>>
      tpu.enqueue_indirect_dma source(%dma_start3A_36 : memref<10000x128xf32, #tpu.memory_space<hbm>>) target(%arg10 : memref<128x128xf32, #tpu.memory_space<vmem>>) offsets(%arg6 : memref<128xi32, #tpu.memory_space<vmem>>) semaphore(%arg14 : memref<!tpu.dma_semaphore, #tpu.memory_space<semaphore_mem>>)
      %dma_wait3A_37 = arith.constant 0 : i32
      %dma_wait3A_38 = arith.constant 0 : i32
      %dma_wait3A_39 = tpu.memref_slice %arg4[%dma_wait3A_37, %dma_wait3A_38] : memref<10000x128xf32, #tpu.memory_space<hbm>> -> memref<10000x128xf32, #tpu.memory_space<hbm>>
      tpu.wait_indirect_dma semaphore(%arg14 : memref<!tpu.dma_semaphore, #tpu.memory_space<semaphore_mem>>) src(%dma_wait3A_39 : memref<10000x128xf32, #tpu.memory_space<hbm>>) dst(%arg10 : memref<128x128xf32, #tpu.memory_space<vmem>>)
      "tpu.region"() ({
        %run_scoped3A = tpu.sem_alloc : memref<!tpu.dma_semaphore, #tpu.memory_space<semaphore_mem>>
        %dma_start3A_40 = arith.constant 0 : i32
        %dma_start3A_41 = arith.constant 0 : i32
        %dma_start3A_42 = tpu.memref_slice %arg13[%dma_start3A_40, %dma_start3A_41] : memref<10000x128xf32, #tpu.memory_space<vmem_shared>> -> memref<10000x128xf32, #tpu.memory_space<vmem_shared>>
        tpu.enqueue_indirect_dma source(%arg10 : memref<128x128xf32, #tpu.memory_space<vmem>>) target(%dma_start3A_42 : memref<10000x128xf32, #tpu.memory_space<vmem_shared>>) offsets(%arg7 : memref<128xi32, #tpu.memory_space<vmem>>) semaphore(%run_scoped3A : memref<!tpu.dma_semaphore, #tpu.memory_space<semaphore_mem>>) {add = true}
        %dma_wait3A_43 = arith.constant 0 : i32
        %dma_wait3A_44 = arith.constant 0 : i32
        %dma_wait3A_45 = tpu.memref_slice %arg13[%dma_wait3A_43, %dma_wait3A_44] : memref<10000x128xf32, #tpu.memory_space<vmem_shared>> -> memref<10000x128xf32, #tpu.memory_space<vmem_shared>>
        tpu.wait_indirect_dma semaphore(%run_scoped3A : memref<!tpu.dma_semaphore, #tpu.memory_space<semaphore_mem>>) src(%arg10 : memref<128x128xf32, #tpu.memory_space<vmem>>) dst(%dma_wait3A_45 : memref<10000x128xf32, #tpu.memory_space<vmem_shared>>)
        tpu.yield
      }) : () -> ()
    }
    %scan3A_17 = arith.constant 78 : i32
    %add3A_18 = arith.constant 9984 : i32
    %add3A_19 = arith.addi %mul3A_12, %add3A_18 : i32
    "tpu.region"() ({
      %run_scoped3A = tpu.sem_alloc : memref<!tpu.dma_semaphore, #tpu.memory_space<semaphore_mem>>
      %dma_start3A_30 = tpu.memref_slice %arg2[%add3A_19] : memref<320000xi32, #tpu.memory_space<hbm>> -> memref<16xi32, #tpu.memory_space<hbm>>
      %dma_start3A_31 = tpu.memref_slice %arg2[%add3A_19] : memref<320000xi32, #tpu.memory_space<hbm>> -> memref<16xi32, #tpu.memory_space<hbm>>
      tpu.enqueue_dma source(%dma_start3A_31 : memref<16xi32, #tpu.memory_space<hbm>>) target(%arg8 : memref<16xi32, #tpu.memory_space<vmem>>) target_semaphore(%run_scoped3A : memref<!tpu.dma_semaphore, #tpu.memory_space<semaphore_mem>>)
      %dma_wait3A_32 = tpu.memref_slice %arg2[%add3A_19] : memref<320000xi32, #tpu.memory_space<hbm>> -> memref<16xi32, #tpu.memory_space<hbm>>
      %dma_wait3A_33 = tpu.memref_slice %arg2[%add3A_19] : memref<320000xi32, #tpu.memory_space<hbm>> -> memref<16xi32, #tpu.memory_space<hbm>>
      tpu.wait_dma2 semaphore(%run_scoped3A : memref<!tpu.dma_semaphore, #tpu.memory_space<semaphore_mem>>) src(%dma_wait3A_33 : memref<16xi32, #tpu.memory_space<hbm>>) dst(%arg8 : memref<16xi32, #tpu.memory_space<vmem>>)
      tpu.yield
    }) : () -> ()
    "tpu.region"() ({
      %run_scoped3A = tpu.sem_alloc : memref<!tpu.dma_semaphore, #tpu.memory_space<semaphore_mem>>
      %dma_start3A_30 = tpu.memref_slice %arg3[%add3A_19] : memref<320000xi32, #tpu.memory_space<hbm>> -> memref<16xi32, #tpu.memory_space<hbm>>
      %dma_start3A_31 = tpu.memref_slice %arg3[%add3A_19] : memref<320000xi32, #tpu.memory_space<hbm>> -> memref<16xi32, #tpu.memory_space<hbm>>
      tpu.enqueue_dma source(%dma_start3A_31 : memref<16xi32, #tpu.memory_space<hbm>>) target(%arg9 : memref<16xi32, #tpu.memory_space<vmem>>) target_semaphore(%run_scoped3A : memref<!tpu.dma_semaphore, #tpu.memory_space<semaphore_mem>>)
      %dma_wait3A_32 = tpu.memref_slice %arg3[%add3A_19] : memref<320000xi32, #tpu.memory_space<hbm>> -> memref<16xi32, #tpu.memory_space<hbm>>
      %dma_wait3A_33 = tpu.memref_slice %arg3[%add3A_19] : memref<320000xi32, #tpu.memory_space<hbm>> -> memref<16xi32, #tpu.memory_space<hbm>>
      tpu.wait_dma2 semaphore(%run_scoped3A : memref<!tpu.dma_semaphore, #tpu.memory_space<semaphore_mem>>) src(%dma_wait3A_33 : memref<16xi32, #tpu.memory_space<hbm>>) dst(%arg9 : memref<16xi32, #tpu.memory_space<vmem>>)
      tpu.yield
    }) : () -> ()
    %dma_start3A = arith.constant 0 : i32
    %dma_start3A_20 = arith.constant 0 : i32
    %dma_start3A_21 = tpu.memref_slice %arg4[%dma_start3A, %dma_start3A_20] : memref<10000x128xf32, #tpu.memory_space<hbm>> -> memref<10000x128xf32, #tpu.memory_space<hbm>>
    tpu.enqueue_indirect_dma source(%dma_start3A_21 : memref<10000x128xf32, #tpu.memory_space<hbm>>) target(%arg11 : memref<16x128xf32, #tpu.memory_space<vmem>>) offsets(%arg8 : memref<16xi32, #tpu.memory_space<vmem>>) semaphore(%arg14 : memref<!tpu.dma_semaphore, #tpu.memory_space<semaphore_mem>>)
    %dma_wait3A = arith.constant 0 : i32
    %dma_wait3A_22 = arith.constant 0 : i32
    %dma_wait3A_23 = tpu.memref_slice %arg4[%dma_wait3A, %dma_wait3A_22] : memref<10000x128xf32, #tpu.memory_space<hbm>> -> memref<10000x128xf32, #tpu.memory_space<hbm>>
    tpu.wait_indirect_dma semaphore(%arg14 : memref<!tpu.dma_semaphore, #tpu.memory_space<semaphore_mem>>) src(%dma_wait3A_23 : memref<10000x128xf32, #tpu.memory_space<hbm>>) dst(%arg11 : memref<16x128xf32, #tpu.memory_space<vmem>>)
    "tpu.region"() ({
      %run_scoped3A = tpu.sem_alloc : memref<!tpu.dma_semaphore, #tpu.memory_space<semaphore_mem>>
      %dma_start3A_30 = arith.constant 0 : i32
      %dma_start3A_31 = arith.constant 0 : i32
      %dma_start3A_32 = tpu.memref_slice %arg13[%dma_start3A_30, %dma_start3A_31] : memref<10000x128xf32, #tpu.memory_space<vmem_shared>> -> memref<10000x128xf32, #tpu.memory_space<vmem_shared>>
      tpu.enqueue_indirect_dma source(%arg11 : memref<16x128xf32, #tpu.memory_space<vmem>>) target(%dma_start3A_32 : memref<10000x128xf32, #tpu.memory_space<vmem_shared>>) offsets(%arg9 : memref<16xi32, #tpu.memory_space<vmem>>) semaphore(%run_scoped3A : memref<!tpu.dma_semaphore, #tpu.memory_space<semaphore_mem>>) {add = true}
      %dma_wait3A_33 = arith.constant 0 : i32
      %dma_wait3A_34 = arith.constant 0 : i32
      %dma_wait3A_35 = tpu.memref_slice %arg13[%dma_wait3A_33, %dma_wait3A_34] : memref<10000x128xf32, #tpu.memory_space<vmem_shared>> -> memref<10000x128xf32, #tpu.memory_space<vmem_shared>>
      tpu.wait_indirect_dma semaphore(%run_scoped3A : memref<!tpu.dma_semaphore, #tpu.memory_space<semaphore_mem>>) src(%arg11 : memref<16x128xf32, #tpu.memory_space<vmem>>) dst(%dma_wait3A_35 : memref<10000x128xf32, #tpu.memory_space<vmem_shared>>)
      tpu.yield
    }) : () -> ()
    %barrier3A_24 = arith.constant 0 : index
    tpu.barrier barrier_id(%barrier3A_24)
    %scan3A_25 = arith.constant 0 : i32
    %scan3A_26 = arith.constant 5 : i32
    %scan3A_27 = arith.addi %scan3A_25, %scan3A_26 : i32
    %scan3A_28 = arith.constant 1 : i32
    scf.for %scan3A_30 = %scan3A_25 to %scan3A_27 step %scan3A_28  : i32 {
      %mul3A_31 = arith.constant 16 : i32
      %mul3A_32 = arith.muli %scan3A_30, %mul3A_31 : i32
      %add3A_33 = arith.addi %arg1, %mul3A_32 : i32
      %lt3A = arith.constant 78 : i32
      %lt3A_34 = arith.cmpi slt, %add3A_33, %lt3A : i32
      %convert_element_type3A = arith.extui %lt3A_34 : i1 to i32
      %cond3A = arith.constant 0 : i32
      %cond3A_35 = arith.cmpi ne, %convert_element_type3A, %cond3A : i32
      scf.if %cond3A_35 {
        %mul3A_40 = arith.constant 128 : i32
        %mul3A_41 = arith.muli %add3A_33, %mul3A_40 : i32
        "tpu.region"() ({
          %run_scoped3A = tpu.sem_alloc : memref<!tpu.dma_semaphore, #tpu.memory_space<semaphore_mem>>
          %dma_start3A_42 = arith.constant 0 : i32
          %dma_start3A_43 = tpu.memref_slice %arg5[%arg0, %mul3A_41, %dma_start3A_42] : memref<2x10000x128xf32, #tpu.memory_space<hbm>> -> memref<1x128x128xf32, #tpu.memory_space<hbm>>
          %dma_start3A_44 = tpu.memref_squeeze %dma_start3A_43 : memref<1x128x128xf32, #tpu.memory_space<hbm>> -> memref<128x128xf32, #tpu.memory_space<hbm>>
          %dma_start3A_45 = arith.constant 0 : i32
          %dma_start3A_46 = tpu.memref_slice %arg13[%mul3A_41, %dma_start3A_45] : memref<10000x128xf32, #tpu.memory_space<vmem_shared>> -> memref<128x128xf32, #tpu.memory_space<vmem_shared>>
          tpu.enqueue_dma source(%dma_start3A_46 : memref<128x128xf32, #tpu.memory_space<vmem_shared>>) target(%dma_start3A_44 : memref<128x128xf32, #tpu.memory_space<hbm>>) target_semaphore(%run_scoped3A : memref<!tpu.dma_semaphore, #tpu.memory_space<semaphore_mem>>)
          %dma_wait3A_47 = arith.constant 0 : i32
          %dma_wait3A_48 = tpu.memref_slice %arg5[%arg0, %mul3A_41, %dma_wait3A_47] : memref<2x10000x128xf32, #tpu.memory_space<hbm>> -> memref<1x128x128xf32, #tpu.memory_space<hbm>>
          %dma_wait3A_49 = tpu.memref_squeeze %dma_wait3A_48 : memref<1x128x128xf32, #tpu.memory_space<hbm>> -> memref<128x128xf32, #tpu.memory_space<hbm>>
          %dma_wait3A_50 = arith.constant 0 : i32
          %dma_wait3A_51 = tpu.memref_slice %arg13[%mul3A_41, %dma_wait3A_50] : memref<10000x128xf32, #tpu.memory_space<vmem_shared>> -> memref<128x128xf32, #tpu.memory_space<vmem_shared>>
          tpu.wait_dma2 semaphore(%run_scoped3A : memref<!tpu.dma_semaphore, #tpu.memory_space<semaphore_mem>>) src(%dma_wait3A_51 : memref<128x128xf32, #tpu.memory_space<vmem_shared>>) dst(%dma_wait3A_49 : memref<128x128xf32, #tpu.memory_space<hbm>>)
          tpu.yield
        }) : () -> ()
      } else {
      }
      %eq3A = arith.constant 78 : i32
      %eq3A_36 = arith.cmpi eq, %add3A_33, %eq3A : i32
      %convert_element_type3A_37 = arith.extui %eq3A_36 : i1 to i32
      %cond3A_38 = arith.constant 0 : i32
      %cond3A_39 = arith.cmpi ne, %convert_element_type3A_37, %cond3A_38 : i32
      scf.if %cond3A_39 {
        "tpu.region"() ({
          %run_scoped3A = tpu.sem_alloc : memref<!tpu.dma_semaphore, #tpu.memory_space<semaphore_mem>>
          %dma_start3A_40 = arith.constant 9984 : i32
          %dma_start3A_41 = arith.constant 0 : i32
          %dma_start3A_42 = tpu.memref_slice %arg5[%arg0, %dma_start3A_40, %dma_start3A_41] : memref<2x10000x128xf32, #tpu.memory_space<hbm>> -> memref<1x16x128xf32, #tpu.memory_space<hbm>>
          %dma_start3A_43 = tpu.memref_squeeze %dma_start3A_42 : memref<1x16x128xf32, #tpu.memory_space<hbm>> -> memref<16x128xf32, #tpu.memory_space<hbm>>
          %dma_start3A_44 = arith.constant 9984 : i32
          %dma_start3A_45 = arith.constant 0 : i32
          %dma_start3A_46 = tpu.memref_slice %arg13[%dma_start3A_44, %dma_start3A_45] : memref<10000x128xf32, #tpu.memory_space<vmem_shared>> -> memref<16x128xf32, #tpu.memory_space<vmem_shared>>
          tpu.enqueue_dma source(%dma_start3A_46 : memref<16x128xf32, #tpu.memory_space<vmem_shared>>) target(%dma_start3A_43 : memref<16x128xf32, #tpu.memory_space<hbm>>) target_semaphore(%run_scoped3A : memref<!tpu.dma_semaphore, #tpu.memory_space<semaphore_mem>>)
          %dma_wait3A_47 = arith.constant 9984 : i32
          %dma_wait3A_48 = arith.constant 0 : i32
          %dma_wait3A_49 = tpu.memref_slice %arg5[%arg0, %dma_wait3A_47, %dma_wait3A_48] : memref<2x10000x128xf32, #tpu.memory_space<hbm>> -> memref<1x16x128xf32, #tpu.memory_space<hbm>>
          %dma_wait3A_50 = tpu.memref_squeeze %dma_wait3A_49 : memref<1x16x128xf32, #tpu.memory_space<hbm>> -> memref<16x128xf32, #tpu.memory_space<hbm>>
          %dma_wait3A_51 = arith.constant 9984 : i32
          %dma_wait3A_52 = arith.constant 0 : i32
          %dma_wait3A_53 = tpu.memref_slice %arg13[%dma_wait3A_51, %dma_wait3A_52] : memref<10000x128xf32, #tpu.memory_space<vmem_shared>> -> memref<16x128xf32, #tpu.memory_space<vmem_shared>>
          tpu.wait_dma2 semaphore(%run_scoped3A : memref<!tpu.dma_semaphore, #tpu.memory_space<semaphore_mem>>) src(%dma_wait3A_53 : memref<16x128xf32, #tpu.memory_space<vmem_shared>>) dst(%dma_wait3A_50 : memref<16x128xf32, #tpu.memory_space<hbm>>)
          tpu.yield
        }) : () -> ()
      } else {
      }
    }
    %scan3A_29 = arith.constant 5 : i32
    return
  }
}

#map = affine_map<(d0, d1) -> (0)>
#map1 = affine_map<(d0, d1) -> (0, 0)>
#map2 = affine_map<(d0, d1) -> (0, 0, 0)>
module attributes {stable_mosaic.version = 14 : i64} {
  func.func @_sc_prep_body(%arg0: i32, %arg1: i32, %arg2: memref<320000xi32, #tpu.memory_space<hbm>>, %arg3: memref<10000xi32, #tpu.memory_space<hbm>>, %arg4: memref<10000x128xf32, #tpu.memory_space<hbm>>, %arg5: memref<2x10000x16xf32, #tpu.memory_space<hbm>>, %arg6: memref<10000x128xf32, #tpu.memory_space<hbm>>, %arg7: memref<128x16xf32, #tpu.memory_space<vmem>>, %arg8: memref<128x16xf32, #tpu.memory_space<vmem>>, %arg9: memref<128xi32, #tpu.memory_space<vmem>>, %arg10: memref<16xi32, #tpu.memory_space<vmem>>, %arg11: memref<80xi32, #tpu.memory_space<vmem>>, %arg12: memref<80x128xf32, #tpu.memory_space<vmem>>, %arg13: memref<10000x16xf32, #tpu.memory_space<vmem_shared>>, %arg14: memref<!tpu.dma_semaphore, #tpu.memory_space<semaphore_mem>>) attributes {dimension_semantics = [#tpu.dimension_semantics<core_parallel>, #tpu.dimension_semantics<subcore_parallel>], iteration_bounds = array<i64: 2, 16>, scalar_prefetch = 0 : i64, scratch_operands = 8 : i64, tpu.core_type = #tpu.core_type<sc_vector_subcore>, window_params = [{transform_indices = #map}, {transform_indices = #map}, {transform_indices = #map1}, {transform_indices = #map2}, {transform_indices = #map1}]} {
    %mul3A = arith.constant 16 : i32
    %mul3A_0 = arith.muli %arg0, %mul3A : i32
    %add3A = arith.addi %mul3A_0, %arg1 : i32
    %broadcast_in_dim3A = arith.constant 1.000000e+00 : f32
    %broadcast_in_dim3A_1 = vector.broadcast %broadcast_in_dim3A : f32 to vector<16xf32>
    %scan3A = arith.constant 0 : i32
    %scan3A_2 = arith.constant 128 : i32
    %scan3A_3 = arith.addi %scan3A, %scan3A_2 : i32
    %scan3A_4 = arith.constant 1 : i32
    scf.for %scan3A_38 = %scan3A to %scan3A_3 step %scan3A_4  : i32 {
      %swap3A = arith.index_cast %scan3A_38 : i32 to index
      %swap3A_39 = arith.constant 0 : index
      %swap3A_40 = tpu.vector_load %arg8[%swap3A, %swap3A_39] {strides = array<i32>} : memref<128x16xf32, #tpu.memory_space<vmem>>, vector<1x16xf32>,
      %swap3A_41 = vector.shape_cast %swap3A_40 : vector<1x16xf32> to vector<16xf32>
      %swap3A_42 = vector.shape_cast %broadcast_in_dim3A_1 : vector<16xf32> to vector<1x16xf32>
      tpu.vector_store %arg8[%swap3A, %swap3A_39], %swap3A_42 {strides = array<i32>} : memref<128x16xf32, #tpu.memory_space<vmem>>, vector<1x16xf32>,
    }
    %scan3A_5 = arith.constant 128 : i32
    %broadcast_in_dim3A_6 = arith.constant 0.000000e+00 : f32
    %broadcast_in_dim3A_7 = vector.broadcast %broadcast_in_dim3A_6 : f32 to vector<16xf32>
    %scan3A_8 = arith.constant 0 : i32
    %scan3A_9 = arith.constant 128 : i32
    %scan3A_10 = arith.addi %scan3A_8, %scan3A_9 : i32
    %scan3A_11 = arith.constant 1 : i32
    scf.for %scan3A_38 = %scan3A_8 to %scan3A_10 step %scan3A_11  : i32 {
      %swap3A = arith.index_cast %scan3A_38 : i32 to index
      %swap3A_39 = arith.constant 0 : index
      %swap3A_40 = tpu.vector_load %arg7[%swap3A, %swap3A_39] {strides = array<i32>} : memref<128x16xf32, #tpu.memory_space<vmem>>, vector<1x16xf32>,
      %swap3A_41 = vector.shape_cast %swap3A_40 : vector<1x16xf32> to vector<16xf32>
      %swap3A_42 = vector.shape_cast %broadcast_in_dim3A_7 : vector<16xf32> to vector<1x16xf32>
      tpu.vector_store %arg7[%swap3A, %swap3A_39], %swap3A_42 {strides = array<i32>} : memref<128x16xf32, #tpu.memory_space<vmem>>, vector<1x16xf32>,
    }
    %scan3A_12 = arith.constant 128 : i32
    %scan3A_13 = arith.constant 0 : i32
    %scan3A_14 = arith.constant 5 : i32
    %scan3A_15 = arith.addi %scan3A_13, %scan3A_14 : i32
    %scan3A_16 = arith.constant 1 : i32
    scf.for %scan3A_38 = %scan3A_13 to %scan3A_15 step %scan3A_16  : i32 {
      %mul3A_39 = arith.constant 16 : i32
      %mul3A_40 = arith.muli %scan3A_38, %mul3A_39 : i32
      %add3A_41 = arith.addi %arg1, %mul3A_40 : i32
      %lt3A = arith.constant 78 : i32
      %lt3A_42 = arith.cmpi slt, %add3A_41, %lt3A : i32
      %convert_element_type3A = arith.extui %lt3A_42 : i1 to i32
      %cond3A = arith.constant 0 : i32
      %cond3A_43 = arith.cmpi ne, %convert_element_type3A, %cond3A : i32
      scf.if %cond3A_43 {
        %mul3A_48 = arith.constant 128 : i32
        %mul3A_49 = arith.muli %add3A_41, %mul3A_48 : i32
        "tpu.region"() ({
          %run_scoped3A = tpu.sem_alloc : memref<!tpu.dma_semaphore, #tpu.memory_space<semaphore_mem>>
          %dma_start3A = arith.constant 0 : i32
          %dma_start3A_50 = tpu.memref_slice %arg13[%mul3A_49, %dma_start3A] : memref<10000x16xf32, #tpu.memory_space<vmem_shared>> -> memref<128x16xf32, #tpu.memory_space<vmem_shared>>
          %dma_start3A_51 = arith.constant 0 : i32
          %dma_start3A_52 = tpu.memref_slice %arg13[%mul3A_49, %dma_start3A_51] : memref<10000x16xf32, #tpu.memory_space<vmem_shared>> -> memref<128x16xf32, #tpu.memory_space<vmem_shared>>
          tpu.enqueue_dma source(%arg7 : memref<128x16xf32, #tpu.memory_space<vmem>>) target(%dma_start3A_52 : memref<128x16xf32, #tpu.memory_space<vmem_shared>>) target_semaphore(%run_scoped3A : memref<!tpu.dma_semaphore, #tpu.memory_space<semaphore_mem>>)
          %dma_wait3A = arith.constant 0 : i32
          %dma_wait3A_53 = tpu.memref_slice %arg13[%mul3A_49, %dma_wait3A] : memref<10000x16xf32, #tpu.memory_space<vmem_shared>> -> memref<128x16xf32, #tpu.memory_space<vmem_shared>>
          %dma_wait3A_54 = arith.constant 0 : i32
          %dma_wait3A_55 = tpu.memref_slice %arg13[%mul3A_49, %dma_wait3A_54] : memref<10000x16xf32, #tpu.memory_space<vmem_shared>> -> memref<128x16xf32, #tpu.memory_space<vmem_shared>>
          tpu.wait_dma2 semaphore(%run_scoped3A : memref<!tpu.dma_semaphore, #tpu.memory_space<semaphore_mem>>) src(%arg7 : memref<128x16xf32, #tpu.memory_space<vmem>>) dst(%dma_wait3A_55 : memref<128x16xf32, #tpu.memory_space<vmem_shared>>)
          tpu.yield
        }) : () -> ()
      } else {
      }
      %eq3A = arith.constant 78 : i32
      %eq3A_44 = arith.cmpi eq, %add3A_41, %eq3A : i32
      %convert_element_type3A_45 = arith.extui %eq3A_44 : i1 to i32
      %cond3A_46 = arith.constant 0 : i32
      %cond3A_47 = arith.cmpi ne, %convert_element_type3A_45, %cond3A_46 : i32
      scf.if %cond3A_47 {
        "tpu.region"() ({
          %run_scoped3A = tpu.sem_alloc : memref<!tpu.dma_semaphore, #tpu.memory_space<semaphore_mem>>
          %dma_start3A = arith.constant 0 : i32
          %dma_start3A_48 = arith.constant 0 : i32
          %dma_start3A_49 = tpu.memref_slice %arg7[%dma_start3A, %dma_start3A_48] : memref<128x16xf32, #tpu.memory_space<vmem>> -> memref<16x16xf32, #tpu.memory_space<vmem>>
          %dma_start3A_50 = arith.constant 9984 : i32
          %dma_start3A_51 = arith.constant 0 : i32
          %dma_start3A_52 = tpu.memref_slice %arg13[%dma_start3A_50, %dma_start3A_51] : memref<10000x16xf32, #tpu.memory_space<vmem_shared>> -> memref<16x16xf32, #tpu.memory_space<vmem_shared>>
          %dma_start3A_53 = arith.constant 9984 : i32
          %dma_start3A_54 = arith.constant 0 : i32
          %dma_start3A_55 = tpu.memref_slice %arg13[%dma_start3A_53, %dma_start3A_54] : memref<10000x16xf32, #tpu.memory_space<vmem_shared>> -> memref<16x16xf32, #tpu.memory_space<vmem_shared>>
          %dma_start3A_56 = arith.constant 0 : i32
          %dma_start3A_57 = arith.constant 0 : i32
          %dma_start3A_58 = tpu.memref_slice %arg7[%dma_start3A_56, %dma_start3A_57] : memref<128x16xf32, #tpu.memory_space<vmem>> -> memref<16x16xf32, #tpu.memory_space<vmem>>
          tpu.enqueue_dma source(%dma_start3A_58 : memref<16x16xf32, #tpu.memory_space<vmem>>) target(%dma_start3A_55 : memref<16x16xf32, #tpu.memory_space<vmem_shared>>) target_semaphore(%run_scoped3A : memref<!tpu.dma_semaphore, #tpu.memory_space<semaphore_mem>>)
          %dma_wait3A = arith.constant 0 : i32
          %dma_wait3A_59 = arith.constant 0 : i32
          %dma_wait3A_60 = tpu.memref_slice %arg7[%dma_wait3A, %dma_wait3A_59] : memref<128x16xf32, #tpu.memory_space<vmem>> -> memref<16x16xf32, #tpu.memory_space<vmem>>
          %dma_wait3A_61 = arith.constant 9984 : i32
          %dma_wait3A_62 = arith.constant 0 : i32
          %dma_wait3A_63 = tpu.memref_slice %arg13[%dma_wait3A_61, %dma_wait3A_62] : memref<10000x16xf32, #tpu.memory_space<vmem_shared>> -> memref<16x16xf32, #tpu.memory_space<vmem_shared>>
          %dma_wait3A_64 = arith.constant 9984 : i32
          %dma_wait3A_65 = arith.constant 0 : i32
          %dma_wait3A_66 = tpu.memref_slice %arg13[%dma_wait3A_64, %dma_wait3A_65] : memref<10000x16xf32, #tpu.memory_space<vmem_shared>> -> memref<16x16xf32, #tpu.memory_space<vmem_shared>>
          %dma_wait3A_67 = arith.constant 0 : i32
          %dma_wait3A_68 = arith.constant 0 : i32
          %dma_wait3A_69 = tpu.memref_slice %arg7[%dma_wait3A_67, %dma_wait3A_68] : memref<128x16xf32, #tpu.memory_space<vmem>> -> memref<16x16xf32, #tpu.memory_space<vmem>>
          tpu.wait_dma2 semaphore(%run_scoped3A : memref<!tpu.dma_semaphore, #tpu.memory_space<semaphore_mem>>) src(%dma_wait3A_69 : memref<16x16xf32, #tpu.memory_space<vmem>>) dst(%dma_wait3A_66 : memref<16x16xf32, #tpu.memory_space<vmem_shared>>)
          tpu.yield
        }) : () -> ()
      } else {
      }
    }
    %scan3A_17 = arith.constant 5 : i32
    %barrier3A = arith.constant 0 : index
    tpu.barrier barrier_id(%barrier3A)
    %scan3A_18 = arith.constant 0 : i32
    %scan3A_19 = arith.constant 4 : i32
    %scan3A_20 = arith.addi %scan3A_18, %scan3A_19 : i32
    %scan3A_21 = arith.constant 1 : i32
    scf.for %scan3A_38 = %scan3A_18 to %scan3A_20 step %scan3A_21  : i32 {
      %mul3A_39 = arith.constant 32 : i32
      %mul3A_40 = arith.muli %scan3A_38, %mul3A_39 : i32
      %add3A_41 = arith.addi %add3A, %mul3A_40 : i32
      %lt3A = arith.constant 125 : i32
      %lt3A_42 = arith.cmpi slt, %add3A_41, %lt3A : i32
      %convert_element_type3A = arith.extui %lt3A_42 : i1 to i32
      %cond3A = arith.constant 0 : i32
      %cond3A_43 = arith.cmpi ne, %convert_element_type3A, %cond3A : i32
      scf.if %cond3A_43 {
        %mul3A_44 = arith.constant 80 : i32
        %mul3A_45 = arith.muli %add3A_41, %mul3A_44 : i32
        "tpu.region"() ({
          %run_scoped3A = tpu.sem_alloc : memref<!tpu.dma_semaphore, #tpu.memory_space<semaphore_mem>>
          %dma_start3A_50 = tpu.memref_slice %arg3[%mul3A_45] : memref<10000xi32, #tpu.memory_space<hbm>> -> memref<80xi32, #tpu.memory_space<hbm>>
          %dma_start3A_51 = tpu.memref_slice %arg3[%mul3A_45] : memref<10000xi32, #tpu.memory_space<hbm>> -> memref<80xi32, #tpu.memory_space<hbm>>
          tpu.enqueue_dma source(%dma_start3A_51 : memref<80xi32, #tpu.memory_space<hbm>>) target(%arg11 : memref<80xi32, #tpu.memory_space<vmem>>) target_semaphore(%run_scoped3A : memref<!tpu.dma_semaphore, #tpu.memory_space<semaphore_mem>>)
          %dma_wait3A_52 = tpu.memref_slice %arg3[%mul3A_45] : memref<10000xi32, #tpu.memory_space<hbm>> -> memref<80xi32, #tpu.memory_space<hbm>>
          %dma_wait3A_53 = tpu.memref_slice %arg3[%mul3A_45] : memref<10000xi32, #tpu.memory_space<hbm>> -> memref<80xi32, #tpu.memory_space<hbm>>
          tpu.wait_dma2 semaphore(%run_scoped3A : memref<!tpu.dma_semaphore, #tpu.memory_space<semaphore_mem>>) src(%dma_wait3A_53 : memref<80xi32, #tpu.memory_space<hbm>>) dst(%arg11 : memref<80xi32, #tpu.memory_space<vmem>>)
          tpu.yield
        }) : () -> ()
        %dma_start3A = arith.constant 0 : i32
        %dma_start3A_46 = arith.constant 0 : i32
        %dma_start3A_47 = tpu.memref_slice %arg4[%dma_start3A, %dma_start3A_46] : memref<10000x128xf32, #tpu.memory_space<hbm>> -> memref<10000x128xf32, #tpu.memory_space<hbm>>
        tpu.enqueue_indirect_dma source(%dma_start3A_47 : memref<10000x128xf32, #tpu.memory_space<hbm>>) target(%arg12 : memref<80x128xf32, #tpu.memory_space<vmem>>) offsets(%arg11 : memref<80xi32, #tpu.memory_space<vmem>>) semaphore(%arg14 : memref<!tpu.dma_semaphore, #tpu.memory_space<semaphore_mem>>)
        %dma_wait3A = arith.constant 0 : i32
        %dma_wait3A_48 = arith.constant 0 : i32
        %dma_wait3A_49 = tpu.memref_slice %arg4[%dma_wait3A, %dma_wait3A_48] : memref<10000x128xf32, #tpu.memory_space<hbm>> -> memref<10000x128xf32, #tpu.memory_space<hbm>>
        tpu.wait_indirect_dma semaphore(%arg14 : memref<!tpu.dma_semaphore, #tpu.memory_space<semaphore_mem>>) src(%dma_wait3A_49 : memref<10000x128xf32, #tpu.memory_space<hbm>>) dst(%arg12 : memref<80x128xf32, #tpu.memory_space<vmem>>)
        "tpu.region"() ({
          %run_scoped3A = tpu.sem_alloc : memref<!tpu.dma_semaphore, #tpu.memory_space<semaphore_mem>>
          %dma_start3A_50 = arith.constant 0 : i32
          %dma_start3A_51 = tpu.memref_slice %arg6[%mul3A_45, %dma_start3A_50] : memref<10000x128xf32, #tpu.memory_space<hbm>> -> memref<80x128xf32, #tpu.memory_space<hbm>>
          %dma_start3A_52 = arith.constant 0 : i32
          %dma_start3A_53 = tpu.memref_slice %arg6[%mul3A_45, %dma_start3A_52] : memref<10000x128xf32, #tpu.memory_space<hbm>> -> memref<80x128xf32, #tpu.memory_space<hbm>>
          tpu.enqueue_dma source(%arg12 : memref<80x128xf32, #tpu.memory_space<vmem>>) target(%dma_start3A_53 : memref<80x128xf32, #tpu.memory_space<hbm>>) target_semaphore(%run_scoped3A : memref<!tpu.dma_semaphore, #tpu.memory_space<semaphore_mem>>)
          %dma_wait3A_54 = arith.constant 0 : i32
          %dma_wait3A_55 = tpu.memref_slice %arg6[%mul3A_45, %dma_wait3A_54] : memref<10000x128xf32, #tpu.memory_space<hbm>> -> memref<80x128xf32, #tpu.memory_space<hbm>>
          %dma_wait3A_56 = arith.constant 0 : i32
          %dma_wait3A_57 = tpu.memref_slice %arg6[%mul3A_45, %dma_wait3A_56] : memref<10000x128xf32, #tpu.memory_space<hbm>> -> memref<80x128xf32, #tpu.memory_space<hbm>>
          tpu.wait_dma2 semaphore(%run_scoped3A : memref<!tpu.dma_semaphore, #tpu.memory_space<semaphore_mem>>) src(%arg12 : memref<80x128xf32, #tpu.memory_space<vmem>>) dst(%dma_wait3A_57 : memref<80x128xf32, #tpu.memory_space<hbm>>)
          tpu.yield
        }) : () -> ()
      } else {
      }
    }
    %scan3A_22 = arith.constant 4 : i32
    %mul3A_23 = arith.constant 10000 : i32
    %mul3A_24 = arith.muli %add3A, %mul3A_23 : i32
    %scan3A_25 = arith.constant 0 : i32
    %scan3A_26 = arith.constant 78 : i32
    %scan3A_27 = arith.addi %scan3A_25, %scan3A_26 : i32
    %scan3A_28 = arith.constant 1 : i32
    scf.for %scan3A_38 = %scan3A_25 to %scan3A_27 step %scan3A_28  : i32 {
      %mul3A_39 = arith.constant 128 : i32
      %mul3A_40 = arith.muli %scan3A_38, %mul3A_39 : i32
      %add3A_41 = arith.addi %mul3A_24, %mul3A_40 : i32
      "tpu.region"() ({
        %run_scoped3A = tpu.sem_alloc : memref<!tpu.dma_semaphore, #tpu.memory_space<semaphore_mem>>
        %dma_start3A = tpu.memref_slice %arg2[%add3A_41] : memref<320000xi32, #tpu.memory_space<hbm>> -> memref<128xi32, #tpu.memory_space<hbm>>
        %dma_start3A_42 = tpu.memref_slice %arg2[%add3A_41] : memref<320000xi32, #tpu.memory_space<hbm>> -> memref<128xi32, #tpu.memory_space<hbm>>
        tpu.enqueue_dma source(%dma_start3A_42 : memref<128xi32, #tpu.memory_space<hbm>>) target(%arg9 : memref<128xi32, #tpu.memory_space<vmem>>) target_semaphore(%run_scoped3A : memref<!tpu.dma_semaphore, #tpu.memory_space<semaphore_mem>>)
        %dma_wait3A = tpu.memref_slice %arg2[%add3A_41] : memref<320000xi32, #tpu.memory_space<hbm>> -> memref<128xi32, #tpu.memory_space<hbm>>
        %dma_wait3A_43 = tpu.memref_slice %arg2[%add3A_41] : memref<320000xi32, #tpu.memory_space<hbm>> -> memref<128xi32, #tpu.memory_space<hbm>>
        tpu.wait_dma2 semaphore(%run_scoped3A : memref<!tpu.dma_semaphore, #tpu.memory_space<semaphore_mem>>) src(%dma_wait3A_43 : memref<128xi32, #tpu.memory_space<hbm>>) dst(%arg9 : memref<128xi32, #tpu.memory_space<vmem>>)
        tpu.yield
      }) : () -> ()
      "tpu.region"() ({
        %run_scoped3A = tpu.sem_alloc : memref<!tpu.dma_semaphore, #tpu.memory_space<semaphore_mem>>
        %dma_start3A = arith.constant 0 : i32
        %dma_start3A_42 = arith.constant 0 : i32
        %dma_start3A_43 = tpu.memref_slice %arg13[%dma_start3A, %dma_start3A_42] : memref<10000x16xf32, #tpu.memory_space<vmem_shared>> -> memref<10000x16xf32, #tpu.memory_space<vmem_shared>>
        tpu.enqueue_indirect_dma source(%arg8 : memref<128x16xf32, #tpu.memory_space<vmem>>) target(%dma_start3A_43 : memref<10000x16xf32, #tpu.memory_space<vmem_shared>>) offsets(%arg9 : memref<128xi32, #tpu.memory_space<vmem>>) semaphore(%run_scoped3A : memref<!tpu.dma_semaphore, #tpu.memory_space<semaphore_mem>>) {add = true}
        %dma_wait3A = arith.constant 0 : i32
        %dma_wait3A_44 = arith.constant 0 : i32
        %dma_wait3A_45 = tpu.memref_slice %arg13[%dma_wait3A, %dma_wait3A_44] : memref<10000x16xf32, #tpu.memory_space<vmem_shared>> -> memref<10000x16xf32, #tpu.memory_space<vmem_shared>>
        tpu.wait_indirect_dma semaphore(%run_scoped3A : memref<!tpu.dma_semaphore, #tpu.memory_space<semaphore_mem>>) src(%arg8 : memref<128x16xf32, #tpu.memory_space<vmem>>) dst(%dma_wait3A_45 : memref<10000x16xf32, #tpu.memory_space<vmem_shared>>)
        tpu.yield
      }) : () -> ()
    }
    %scan3A_29 = arith.constant 78 : i32
    %add3A_30 = arith.constant 9984 : i32
    %add3A_31 = arith.addi %mul3A_24, %add3A_30 : i32
    "tpu.region"() ({
      %run_scoped3A = tpu.sem_alloc : memref<!tpu.dma_semaphore, #tpu.memory_space<semaphore_mem>>
      %dma_start3A = tpu.memref_slice %arg2[%add3A_31] : memref<320000xi32, #tpu.memory_space<hbm>> -> memref<16xi32, #tpu.memory_space<hbm>>
      %dma_start3A_38 = tpu.memref_slice %arg2[%add3A_31] : memref<320000xi32, #tpu.memory_space<hbm>> -> memref<16xi32, #tpu.memory_space<hbm>>
      tpu.enqueue_dma source(%dma_start3A_38 : memref<16xi32, #tpu.memory_space<hbm>>) target(%arg10 : memref<16xi32, #tpu.memory_space<vmem>>) target_semaphore(%run_scoped3A : memref<!tpu.dma_semaphore, #tpu.memory_space<semaphore_mem>>)
      %dma_wait3A = tpu.memref_slice %arg2[%add3A_31] : memref<320000xi32, #tpu.memory_space<hbm>> -> memref<16xi32, #tpu.memory_space<hbm>>
      %dma_wait3A_39 = tpu.memref_slice %arg2[%add3A_31] : memref<320000xi32, #tpu.memory_space<hbm>> -> memref<16xi32, #tpu.memory_space<hbm>>
      tpu.wait_dma2 semaphore(%run_scoped3A : memref<!tpu.dma_semaphore, #tpu.memory_space<semaphore_mem>>) src(%dma_wait3A_39 : memref<16xi32, #tpu.memory_space<hbm>>) dst(%arg10 : memref<16xi32, #tpu.memory_space<vmem>>)
      tpu.yield
    }) : () -> ()
    "tpu.region"() ({
      %run_scoped3A = tpu.sem_alloc : memref<!tpu.dma_semaphore, #tpu.memory_space<semaphore_mem>>
      %dma_start3A = arith.constant 0 : i32
      %dma_start3A_38 = arith.constant 0 : i32
      %dma_start3A_39 = tpu.memref_slice %arg8[%dma_start3A, %dma_start3A_38] : memref<128x16xf32, #tpu.memory_space<vmem>> -> memref<16x16xf32, #tpu.memory_space<vmem>>
      %dma_start3A_40 = arith.constant 0 : i32
      %dma_start3A_41 = arith.constant 0 : i32
      %dma_start3A_42 = tpu.memref_slice %arg13[%dma_start3A_40, %dma_start3A_41] : memref<10000x16xf32, #tpu.memory_space<vmem_shared>> -> memref<10000x16xf32, #tpu.memory_space<vmem_shared>>
      tpu.enqueue_indirect_dma source(%dma_start3A_39 : memref<16x16xf32, #tpu.memory_space<vmem>>) target(%dma_start3A_42 : memref<10000x16xf32, #tpu.memory_space<vmem_shared>>) offsets(%arg10 : memref<16xi32, #tpu.memory_space<vmem>>) semaphore(%run_scoped3A : memref<!tpu.dma_semaphore, #tpu.memory_space<semaphore_mem>>) {add = true}
      %dma_wait3A = arith.constant 0 : i32
      %dma_wait3A_43 = arith.constant 0 : i32
      %dma_wait3A_44 = tpu.memref_slice %arg8[%dma_wait3A, %dma_wait3A_43] : memref<128x16xf32, #tpu.memory_space<vmem>> -> memref<16x16xf32, #tpu.memory_space<vmem>>
      %dma_wait3A_45 = arith.constant 0 : i32
      %dma_wait3A_46 = arith.constant 0 : i32
      %dma_wait3A_47 = tpu.memref_slice %arg13[%dma_wait3A_45, %dma_wait3A_46] : memref<10000x16xf32, #tpu.memory_space<vmem_shared>> -> memref<10000x16xf32, #tpu.memory_space<vmem_shared>>
      tpu.wait_indirect_dma semaphore(%run_scoped3A : memref<!tpu.dma_semaphore, #tpu.memory_space<semaphore_mem>>) src(%dma_wait3A_44 : memref<16x16xf32, #tpu.memory_space<vmem>>) dst(%dma_wait3A_47 : memref<10000x16xf32, #tpu.memory_space<vmem_shared>>)
      tpu.yield
    }) : () -> ()
    %barrier3A_32 = arith.constant 0 : index
    tpu.barrier barrier_id(%barrier3A_32)
    %scan3A_33 = arith.constant 0 : i32
    %scan3A_34 = arith.constant 5 : i32
    %scan3A_35 = arith.addi %scan3A_33, %scan3A_34 : i32
    %scan3A_36 = arith.constant 1 : i32
    scf.for %scan3A_38 = %scan3A_33 to %scan3A_35 step %scan3A_36  : i32 {
      %mul3A_39 = arith.constant 16 : i32
      %mul3A_40 = arith.muli %scan3A_38, %mul3A_39 : i32
      %add3A_41 = arith.addi %arg1, %mul3A_40 : i32
      %lt3A = arith.constant 78 : i32
      %lt3A_42 = arith.cmpi slt, %add3A_41, %lt3A : i32
      %convert_element_type3A = arith.extui %lt3A_42 : i1 to i32
      %cond3A = arith.constant 0 : i32
      %cond3A_43 = arith.cmpi ne, %convert_element_type3A, %cond3A : i32
      scf.if %cond3A_43 {
        %mul3A_48 = arith.constant 128 : i32
        %mul3A_49 = arith.muli %add3A_41, %mul3A_48 : i32
        "tpu.region"() ({
          %run_scoped3A = tpu.sem_alloc : memref<!tpu.dma_semaphore, #tpu.memory_space<semaphore_mem>>
          %dma_start3A = arith.constant 0 : i32
          %dma_start3A_50 = tpu.memref_slice %arg5[%arg0, %mul3A_49, %dma_start3A] : memref<2x10000x16xf32, #tpu.memory_space<hbm>> -> memref<1x128x16xf32, #tpu.memory_space<hbm>>
          %dma_start3A_51 = tpu.memref_squeeze %dma_start3A_50 : memref<1x128x16xf32, #tpu.memory_space<hbm>> -> memref<128x16xf32, #tpu.memory_space<hbm>>
          %dma_start3A_52 = arith.constant 0 : i32
          %dma_start3A_53 = tpu.memref_slice %arg13[%mul3A_49, %dma_start3A_52] : memref<10000x16xf32, #tpu.memory_space<vmem_shared>> -> memref<128x16xf32, #tpu.memory_space<vmem_shared>>
          tpu.enqueue_dma source(%dma_start3A_53 : memref<128x16xf32, #tpu.memory_space<vmem_shared>>) target(%dma_start3A_51 : memref<128x16xf32, #tpu.memory_space<hbm>>) target_semaphore(%run_scoped3A : memref<!tpu.dma_semaphore, #tpu.memory_space<semaphore_mem>>)
          %dma_wait3A = arith.constant 0 : i32
          %dma_wait3A_54 = tpu.memref_slice %arg5[%arg0, %mul3A_49, %dma_wait3A] : memref<2x10000x16xf32, #tpu.memory_space<hbm>> -> memref<1x128x16xf32, #tpu.memory_space<hbm>>
          %dma_wait3A_55 = tpu.memref_squeeze %dma_wait3A_54 : memref<1x128x16xf32, #tpu.memory_space<hbm>> -> memref<128x16xf32, #tpu.memory_space<hbm>>
          %dma_wait3A_56 = arith.constant 0 : i32
          %dma_wait3A_57 = tpu.memref_slice %arg13[%mul3A_49, %dma_wait3A_56] : memref<10000x16xf32, #tpu.memory_space<vmem_shared>> -> memref<128x16xf32, #tpu.memory_space<vmem_shared>>
          tpu.wait_dma2 semaphore(%run_scoped3A : memref<!tpu.dma_semaphore, #tpu.memory_space<semaphore_mem>>) src(%dma_wait3A_57 : memref<128x16xf32, #tpu.memory_space<vmem_shared>>) dst(%dma_wait3A_55 : memref<128x16xf32, #tpu.memory_space<hbm>>)
          tpu.yield
        }) : () -> ()
      } else {
      }
      %eq3A = arith.constant 78 : i32
      %eq3A_44 = arith.cmpi eq, %add3A_41, %eq3A : i32
      %convert_element_type3A_45 = arith.extui %eq3A_44 : i1 to i32
      %cond3A_46 = arith.constant 0 : i32
      %cond3A_47 = arith.cmpi ne, %convert_element_type3A_45, %cond3A_46 : i32
      scf.if %cond3A_47 {
        "tpu.region"() ({
          %run_scoped3A = tpu.sem_alloc : memref<!tpu.dma_semaphore, #tpu.memory_space<semaphore_mem>>
          %dma_start3A = arith.constant 9984 : i32
          %dma_start3A_48 = arith.constant 0 : i32
          %dma_start3A_49 = tpu.memref_slice %arg5[%arg0, %dma_start3A, %dma_start3A_48] : memref<2x10000x16xf32, #tpu.memory_space<hbm>> -> memref<1x16x16xf32, #tpu.memory_space<hbm>>
          %dma_start3A_50 = tpu.memref_squeeze %dma_start3A_49 : memref<1x16x16xf32, #tpu.memory_space<hbm>> -> memref<16x16xf32, #tpu.memory_space<hbm>>
          %dma_start3A_51 = arith.constant 9984 : i32
          %dma_start3A_52 = arith.constant 0 : i32
          %dma_start3A_53 = tpu.memref_slice %arg13[%dma_start3A_51, %dma_start3A_52] : memref<10000x16xf32, #tpu.memory_space<vmem_shared>> -> memref<16x16xf32, #tpu.memory_space<vmem_shared>>
          tpu.enqueue_dma source(%dma_start3A_53 : memref<16x16xf32, #tpu.memory_space<vmem_shared>>) target(%dma_start3A_50 : memref<16x16xf32, #tpu.memory_space<hbm>>) target_semaphore(%run_scoped3A : memref<!tpu.dma_semaphore, #tpu.memory_space<semaphore_mem>>)
          %dma_wait3A = arith.constant 9984 : i32
          %dma_wait3A_54 = arith.constant 0 : i32
          %dma_wait3A_55 = tpu.memref_slice %arg5[%arg0, %dma_wait3A, %dma_wait3A_54] : memref<2x10000x16xf32, #tpu.memory_space<hbm>> -> memref<1x16x16xf32, #tpu.memory_space<hbm>>
          %dma_wait3A_56 = tpu.memref_squeeze %dma_wait3A_55 : memref<1x16x16xf32, #tpu.memory_space<hbm>> -> memref<16x16xf32, #tpu.memory_space<hbm>>
          %dma_wait3A_57 = arith.constant 9984 : i32
          %dma_wait3A_58 = arith.constant 0 : i32
          %dma_wait3A_59 = tpu.memref_slice %arg13[%dma_wait3A_57, %dma_wait3A_58] : memref<10000x16xf32, #tpu.memory_space<vmem_shared>> -> memref<16x16xf32, #tpu.memory_space<vmem_shared>>
          tpu.wait_dma2 semaphore(%run_scoped3A : memref<!tpu.dma_semaphore, #tpu.memory_space<semaphore_mem>>) src(%dma_wait3A_59 : memref<16x16xf32, #tpu.memory_space<vmem_shared>>) dst(%dma_wait3A_56 : memref<16x16xf32, #tpu.memory_space<hbm>>)
          tpu.yield
        }) : () -> ()
      } else {
      }
    }
    %scan3A_37 = arith.constant 5 : i32
    return
  }
}

#map = affine_map<(d0, d1) -> (0)>
#map1 = affine_map<(d0, d1) -> (0, 0)>
#map2 = affine_map<(d0, d1) -> (0, 0, 0)>
module attributes {stable_mosaic.version = 14 : i64} {
  func.func @_sc_edge_body(%arg0: i32, %arg1: i32, %arg2: memref<320000xi32, #tpu.memory_space<hbm>>, %arg3: memref<320000xi32, #tpu.memory_space<hbm>>, %arg4: memref<10000x128xf32, #tpu.memory_space<hbm>>, %arg5: memref<2x10000x128xf32, #tpu.memory_space<hbm>>, %arg6: memref<128xi32, #tpu.memory_space<vmem>>, %arg7: memref<128xi32, #tpu.memory_space<vmem>>, %arg8: memref<16xi32, #tpu.memory_space<vmem>>, %arg9: memref<16xi32, #tpu.memory_space<vmem>>, %arg10: memref<128x128xf32, #tpu.memory_space<vmem>>, %arg11: memref<16x128xf32, #tpu.memory_space<vmem>>, %arg12: memref<128x128xf32, #tpu.memory_space<vmem>>, %arg13: memref<10000x128xf32, #tpu.memory_space<vmem_shared>>, %arg14: memref<!tpu.dma_semaphore, #tpu.memory_space<semaphore_mem>>) attributes {dimension_semantics = [#tpu.dimension_semantics<core_parallel>, #tpu.dimension_semantics<subcore_parallel>], iteration_bounds = array<i64: 2, 16>, scalar_prefetch = 0 : i64, scratch_operands = 9 : i64, tpu.core_type = #tpu.core_type<sc_vector_subcore>, window_params = [{transform_indices = #map}, {transform_indices = #map}, {transform_indices = #map1}, {transform_indices = #map2}]} {
    %mul3A = arith.constant 16 : i32
    %mul3A_0 = arith.muli %arg0, %mul3A : i32
    %add3A = arith.addi %mul3A_0, %arg1 : i32
    %broadcast_in_dim3A = arith.constant 0.000000e+00 : f32
    %broadcast_in_dim3A_1 = vector.broadcast %broadcast_in_dim3A : f32 to vector<16xf32>
    %scan3A = arith.constant 0 : i32
    %scan3A_2 = arith.constant 128 : i32
    %scan3A_3 = arith.addi %scan3A, %scan3A_2 : i32
    %scan3A_4 = arith.constant 1 : i32
    scf.for %scan3A_30 = %scan3A to %scan3A_3 step %scan3A_4  : i32 {
      %swap3A = arith.index_cast %scan3A_30 : i32 to index
      %swap3A_31 = arith.constant 0 : index
      %swap3A_32 = tpu.vector_load %arg12[%swap3A, %swap3A_31] {strides = array<i32>} : memref<128x128xf32, #tpu.memory_space<vmem>>, vector<1x16xf32>,
      %swap3A_33 = vector.shape_cast %swap3A_32 : vector<1x16xf32> to vector<16xf32>
      %swap3A_34 = vector.shape_cast %broadcast_in_dim3A_1 : vector<16xf32> to vector<1x16xf32>
      tpu.vector_store %arg12[%swap3A, %swap3A_31], %swap3A_34 {strides = array<i32>} : memref<128x128xf32, #tpu.memory_space<vmem>>, vector<1x16xf32>,
      %swap3A_35 = arith.index_cast %scan3A_30 : i32 to index
      %swap3A_36 = arith.constant 16 : index
      %swap3A_37 = tpu.vector_load %arg12[%swap3A_35, %swap3A_36] {strides = array<i32>} : memref<128x128xf32, #tpu.memory_space<vmem>>, vector<1x16xf32>,
      %swap3A_38 = vector.shape_cast %swap3A_37 : vector<1x16xf32> to vector<16xf32>
      %swap3A_39 = vector.shape_cast %broadcast_in_dim3A_1 : vector<16xf32> to vector<1x16xf32>
      tpu.vector_store %arg12[%swap3A_35, %swap3A_36], %swap3A_39 {strides = array<i32>} : memref<128x128xf32, #tpu.memory_space<vmem>>, vector<1x16xf32>,
      %swap3A_40 = arith.index_cast %scan3A_30 : i32 to index
      %swap3A_41 = arith.constant 32 : index
      %swap3A_42 = tpu.vector_load %arg12[%swap3A_40, %swap3A_41] {strides = array<i32>} : memref<128x128xf32, #tpu.memory_space<vmem>>, vector<1x16xf32>,
      %swap3A_43 = vector.shape_cast %swap3A_42 : vector<1x16xf32> to vector<16xf32>
      %swap3A_44 = vector.shape_cast %broadcast_in_dim3A_1 : vector<16xf32> to vector<1x16xf32>
      tpu.vector_store %arg12[%swap3A_40, %swap3A_41], %swap3A_44 {strides = array<i32>} : memref<128x128xf32, #tpu.memory_space<vmem>>, vector<1x16xf32>,
      %swap3A_45 = arith.index_cast %scan3A_30 : i32 to index
      %swap3A_46 = arith.constant 48 : index
      %swap3A_47 = tpu.vector_load %arg12[%swap3A_45, %swap3A_46] {strides = array<i32>} : memref<128x128xf32, #tpu.memory_space<vmem>>, vector<1x16xf32>,
      %swap3A_48 = vector.shape_cast %swap3A_47 : vector<1x16xf32> to vector<16xf32>
      %swap3A_49 = vector.shape_cast %broadcast_in_dim3A_1 : vector<16xf32> to vector<1x16xf32>
      tpu.vector_store %arg12[%swap3A_45, %swap3A_46], %swap3A_49 {strides = array<i32>} : memref<128x128xf32, #tpu.memory_space<vmem>>, vector<1x16xf32>,
      %swap3A_50 = arith.index_cast %scan3A_30 : i32 to index
      %swap3A_51 = arith.constant 64 : index
      %swap3A_52 = tpu.vector_load %arg12[%swap3A_50, %swap3A_51] {strides = array<i32>} : memref<128x128xf32, #tpu.memory_space<vmem>>, vector<1x16xf32>,
      %swap3A_53 = vector.shape_cast %swap3A_52 : vector<1x16xf32> to vector<16xf32>
      %swap3A_54 = vector.shape_cast %broadcast_in_dim3A_1 : vector<16xf32> to vector<1x16xf32>
      tpu.vector_store %arg12[%swap3A_50, %swap3A_51], %swap3A_54 {strides = array<i32>} : memref<128x128xf32, #tpu.memory_space<vmem>>, vector<1x16xf32>,
      %swap3A_55 = arith.index_cast %scan3A_30 : i32 to index
      %swap3A_56 = arith.constant 80 : index
      %swap3A_57 = tpu.vector_load %arg12[%swap3A_55, %swap3A_56] {strides = array<i32>} : memref<128x128xf32, #tpu.memory_space<vmem>>, vector<1x16xf32>,
      %swap3A_58 = vector.shape_cast %swap3A_57 : vector<1x16xf32> to vector<16xf32>
      %swap3A_59 = vector.shape_cast %broadcast_in_dim3A_1 : vector<16xf32> to vector<1x16xf32>
      tpu.vector_store %arg12[%swap3A_55, %swap3A_56], %swap3A_59 {strides = array<i32>} : memref<128x128xf32, #tpu.memory_space<vmem>>, vector<1x16xf32>,
      %swap3A_60 = arith.index_cast %scan3A_30 : i32 to index
      %swap3A_61 = arith.constant 96 : index
      %swap3A_62 = tpu.vector_load %arg12[%swap3A_60, %swap3A_61] {strides = array<i32>} : memref<128x128xf32, #tpu.memory_space<vmem>>, vector<1x16xf32>,
      %swap3A_63 = vector.shape_cast %swap3A_62 : vector<1x16xf32> to vector<16xf32>
      %swap3A_64 = vector.shape_cast %broadcast_in_dim3A_1 : vector<16xf32> to vector<1x16xf32>
      tpu.vector_store %arg12[%swap3A_60, %swap3A_61], %swap3A_64 {strides = array<i32>} : memref<128x128xf32, #tpu.memory_space<vmem>>, vector<1x16xf32>,
      %swap3A_65 = arith.index_cast %scan3A_30 : i32 to index
      %swap3A_66 = arith.constant 112 : index
      %swap3A_67 = tpu.vector_load %arg12[%swap3A_65, %swap3A_66] {strides = array<i32>} : memref<128x128xf32, #tpu.memory_space<vmem>>, vector<1x16xf32>,
      %swap3A_68 = vector.shape_cast %swap3A_67 : vector<1x16xf32> to vector<16xf32>
      %swap3A_69 = vector.shape_cast %broadcast_in_dim3A_1 : vector<16xf32> to vector<1x16xf32>
      tpu.vector_store %arg12[%swap3A_65, %swap3A_66], %swap3A_69 {strides = array<i32>} : memref<128x128xf32, #tpu.memory_space<vmem>>, vector<1x16xf32>,
    }
    %scan3A_5 = arith.constant 128 : i32
    %scan3A_6 = arith.constant 0 : i32
    %scan3A_7 = arith.constant 5 : i32
    %scan3A_8 = arith.addi %scan3A_6, %scan3A_7 : i32
    %scan3A_9 = arith.constant 1 : i32
    scf.for %scan3A_30 = %scan3A_6 to %scan3A_8 step %scan3A_9  : i32 {
      %mul3A_31 = arith.constant 16 : i32
      %mul3A_32 = arith.muli %scan3A_30, %mul3A_31 : i32
      %add3A_33 = arith.addi %arg1, %mul3A_32 : i32
      %lt3A = arith.constant 78 : i32
      %lt3A_34 = arith.cmpi slt, %add3A_33, %lt3A : i32
      %convert_element_type3A = arith.extui %lt3A_34 : i1 to i32
      %cond3A = arith.constant 0 : i32
      %cond3A_35 = arith.cmpi ne, %convert_element_type3A, %cond3A : i32
      scf.if %cond3A_35 {
        %mul3A_40 = arith.constant 128 : i32
        %mul3A_41 = arith.muli %add3A_33, %mul3A_40 : i32
        "tpu.region"() ({
          %run_scoped3A = tpu.sem_alloc : memref<!tpu.dma_semaphore, #tpu.memory_space<semaphore_mem>>
          %dma_start3A_42 = arith.constant 0 : i32
          %dma_start3A_43 = tpu.memref_slice %arg13[%mul3A_41, %dma_start3A_42] : memref<10000x128xf32, #tpu.memory_space<vmem_shared>> -> memref<128x128xf32, #tpu.memory_space<vmem_shared>>
          %dma_start3A_44 = arith.constant 0 : i32
          %dma_start3A_45 = tpu.memref_slice %arg13[%mul3A_41, %dma_start3A_44] : memref<10000x128xf32, #tpu.memory_space<vmem_shared>> -> memref<128x128xf32, #tpu.memory_space<vmem_shared>>
          tpu.enqueue_dma source(%arg12 : memref<128x128xf32, #tpu.memory_space<vmem>>) target(%dma_start3A_45 : memref<128x128xf32, #tpu.memory_space<vmem_shared>>) target_semaphore(%run_scoped3A : memref<!tpu.dma_semaphore, #tpu.memory_space<semaphore_mem>>)
          %dma_wait3A_46 = arith.constant 0 : i32
          %dma_wait3A_47 = tpu.memref_slice %arg13[%mul3A_41, %dma_wait3A_46] : memref<10000x128xf32, #tpu.memory_space<vmem_shared>> -> memref<128x128xf32, #tpu.memory_space<vmem_shared>>
          %dma_wait3A_48 = arith.constant 0 : i32
          %dma_wait3A_49 = tpu.memref_slice %arg13[%mul3A_41, %dma_wait3A_48] : memref<10000x128xf32, #tpu.memory_space<vmem_shared>> -> memref<128x128xf32, #tpu.memory_space<vmem_shared>>
          tpu.wait_dma2 semaphore(%run_scoped3A : memref<!tpu.dma_semaphore, #tpu.memory_space<semaphore_mem>>) src(%arg12 : memref<128x128xf32, #tpu.memory_space<vmem>>) dst(%dma_wait3A_49 : memref<128x128xf32, #tpu.memory_space<vmem_shared>>)
          tpu.yield
        }) : () -> ()
      } else {
      }
      %eq3A = arith.constant 78 : i32
      %eq3A_36 = arith.cmpi eq, %add3A_33, %eq3A : i32
      %convert_element_type3A_37 = arith.extui %eq3A_36 : i1 to i32
      %cond3A_38 = arith.constant 0 : i32
      %cond3A_39 = arith.cmpi ne, %convert_element_type3A_37, %cond3A_38 : i32
      scf.if %cond3A_39 {
        "tpu.region"() ({
          %run_scoped3A = tpu.sem_alloc : memref<!tpu.dma_semaphore, #tpu.memory_space<semaphore_mem>>
          %dma_start3A_40 = arith.constant 0 : i32
          %dma_start3A_41 = arith.constant 0 : i32
          %dma_start3A_42 = tpu.memref_slice %arg12[%dma_start3A_40, %dma_start3A_41] : memref<128x128xf32, #tpu.memory_space<vmem>> -> memref<16x128xf32, #tpu.memory_space<vmem>>
          %dma_start3A_43 = arith.constant 9984 : i32
          %dma_start3A_44 = arith.constant 0 : i32
          %dma_start3A_45 = tpu.memref_slice %arg13[%dma_start3A_43, %dma_start3A_44] : memref<10000x128xf32, #tpu.memory_space<vmem_shared>> -> memref<16x128xf32, #tpu.memory_space<vmem_shared>>
          %dma_start3A_46 = arith.constant 9984 : i32
          %dma_start3A_47 = arith.constant 0 : i32
          %dma_start3A_48 = tpu.memref_slice %arg13[%dma_start3A_46, %dma_start3A_47] : memref<10000x128xf32, #tpu.memory_space<vmem_shared>> -> memref<16x128xf32, #tpu.memory_space<vmem_shared>>
          %dma_start3A_49 = arith.constant 0 : i32
          %dma_start3A_50 = arith.constant 0 : i32
          %dma_start3A_51 = tpu.memref_slice %arg12[%dma_start3A_49, %dma_start3A_50] : memref<128x128xf32, #tpu.memory_space<vmem>> -> memref<16x128xf32, #tpu.memory_space<vmem>>
          tpu.enqueue_dma source(%dma_start3A_51 : memref<16x128xf32, #tpu.memory_space<vmem>>) target(%dma_start3A_48 : memref<16x128xf32, #tpu.memory_space<vmem_shared>>) target_semaphore(%run_scoped3A : memref<!tpu.dma_semaphore, #tpu.memory_space<semaphore_mem>>)
          %dma_wait3A_52 = arith.constant 0 : i32
          %dma_wait3A_53 = arith.constant 0 : i32
          %dma_wait3A_54 = tpu.memref_slice %arg12[%dma_wait3A_52, %dma_wait3A_53] : memref<128x128xf32, #tpu.memory_space<vmem>> -> memref<16x128xf32, #tpu.memory_space<vmem>>
          %dma_wait3A_55 = arith.constant 9984 : i32
          %dma_wait3A_56 = arith.constant 0 : i32
          %dma_wait3A_57 = tpu.memref_slice %arg13[%dma_wait3A_55, %dma_wait3A_56] : memref<10000x128xf32, #tpu.memory_space<vmem_shared>> -> memref<16x128xf32, #tpu.memory_space<vmem_shared>>
          %dma_wait3A_58 = arith.constant 9984 : i32
          %dma_wait3A_59 = arith.constant 0 : i32
          %dma_wait3A_60 = tpu.memref_slice %arg13[%dma_wait3A_58, %dma_wait3A_59] : memref<10000x128xf32, #tpu.memory_space<vmem_shared>> -> memref<16x128xf32, #tpu.memory_space<vmem_shared>>
          %dma_wait3A_61 = arith.constant 0 : i32
          %dma_wait3A_62 = arith.constant 0 : i32
          %dma_wait3A_63 = tpu.memref_slice %arg12[%dma_wait3A_61, %dma_wait3A_62] : memref<128x128xf32, #tpu.memory_space<vmem>> -> memref<16x128xf32, #tpu.memory_space<vmem>>
          tpu.wait_dma2 semaphore(%run_scoped3A : memref<!tpu.dma_semaphore, #tpu.memory_space<semaphore_mem>>) src(%dma_wait3A_63 : memref<16x128xf32, #tpu.memory_space<vmem>>) dst(%dma_wait3A_60 : memref<16x128xf32, #tpu.memory_space<vmem_shared>>)
          tpu.yield
        }) : () -> ()
      } else {
      }
    }
    %scan3A_10 = arith.constant 5 : i32
    %barrier3A = arith.constant 0 : index
    tpu.barrier barrier_id(%barrier3A)
    %mul3A_11 = arith.constant 10000 : i32
    %mul3A_12 = arith.muli %add3A, %mul3A_11 : i32
    %scan3A_13 = arith.constant 0 : i32
    %scan3A_14 = arith.constant 78 : i32
    %scan3A_15 = arith.addi %scan3A_13, %scan3A_14 : i32
    %scan3A_16 = arith.constant 1 : i32
    scf.for %scan3A_30 = %scan3A_13 to %scan3A_15 step %scan3A_16  : i32 {
      %mul3A_31 = arith.constant 128 : i32
      %mul3A_32 = arith.muli %scan3A_30, %mul3A_31 : i32
      %add3A_33 = arith.addi %mul3A_12, %mul3A_32 : i32
      "tpu.region"() ({
        %run_scoped3A = tpu.sem_alloc : memref<!tpu.dma_semaphore, #tpu.memory_space<semaphore_mem>>
        %dma_start3A_40 = tpu.memref_slice %arg2[%add3A_33] : memref<320000xi32, #tpu.memory_space<hbm>> -> memref<128xi32, #tpu.memory_space<hbm>>
        %dma_start3A_41 = tpu.memref_slice %arg2[%add3A_33] : memref<320000xi32, #tpu.memory_space<hbm>> -> memref<128xi32, #tpu.memory_space<hbm>>
        tpu.enqueue_dma source(%dma_start3A_41 : memref<128xi32, #tpu.memory_space<hbm>>) target(%arg6 : memref<128xi32, #tpu.memory_space<vmem>>) target_semaphore(%run_scoped3A : memref<!tpu.dma_semaphore, #tpu.memory_space<semaphore_mem>>)
        %dma_wait3A_42 = tpu.memref_slice %arg2[%add3A_33] : memref<320000xi32, #tpu.memory_space<hbm>> -> memref<128xi32, #tpu.memory_space<hbm>>
        %dma_wait3A_43 = tpu.memref_slice %arg2[%add3A_33] : memref<320000xi32, #tpu.memory_space<hbm>> -> memref<128xi32, #tpu.memory_space<hbm>>
        tpu.wait_dma2 semaphore(%run_scoped3A : memref<!tpu.dma_semaphore, #tpu.memory_space<semaphore_mem>>) src(%dma_wait3A_43 : memref<128xi32, #tpu.memory_space<hbm>>) dst(%arg6 : memref<128xi32, #tpu.memory_space<vmem>>)
        tpu.yield
      }) : () -> ()
      "tpu.region"() ({
        %run_scoped3A = tpu.sem_alloc : memref<!tpu.dma_semaphore, #tpu.memory_space<semaphore_mem>>
        %dma_start3A_40 = tpu.memref_slice %arg3[%add3A_33] : memref<320000xi32, #tpu.memory_space<hbm>> -> memref<128xi32, #tpu.memory_space<hbm>>
        %dma_start3A_41 = tpu.memref_slice %arg3[%add3A_33] : memref<320000xi32, #tpu.memory_space<hbm>> -> memref<128xi32, #tpu.memory_space<hbm>>
        tpu.enqueue_dma source(%dma_start3A_41 : memref<128xi32, #tpu.memory_space<hbm>>) target(%arg7 : memref<128xi32, #tpu.memory_space<vmem>>) target_semaphore(%run_scoped3A : memref<!tpu.dma_semaphore, #tpu.memory_space<semaphore_mem>>)
        %dma_wait3A_42 = tpu.memref_slice %arg3[%add3A_33] : memref<320000xi32, #tpu.memory_space<hbm>> -> memref<128xi32, #tpu.memory_space<hbm>>
        %dma_wait3A_43 = tpu.memref_slice %arg3[%add3A_33] : memref<320000xi32, #tpu.memory_space<hbm>> -> memref<128xi32, #tpu.memory_space<hbm>>
        tpu.wait_dma2 semaphore(%run_scoped3A : memref<!tpu.dma_semaphore, #tpu.memory_space<semaphore_mem>>) src(%dma_wait3A_43 : memref<128xi32, #tpu.memory_space<hbm>>) dst(%arg7 : memref<128xi32, #tpu.memory_space<vmem>>)
        tpu.yield
      }) : () -> ()
      %dma_start3A_34 = arith.constant 0 : i32
      %dma_start3A_35 = arith.constant 0 : i32
      %dma_start3A_36 = tpu.memref_slice %arg4[%dma_start3A_34, %dma_start3A_35] : memref<10000x128xf32, #tpu.memory_space<hbm>> -> memref<10000x128xf32, #tpu.memory_space<hbm>>
      tpu.enqueue_indirect_dma source(%dma_start3A_36 : memref<10000x128xf32, #tpu.memory_space<hbm>>) target(%arg10 : memref<128x128xf32, #tpu.memory_space<vmem>>) offsets(%arg6 : memref<128xi32, #tpu.memory_space<vmem>>) semaphore(%arg14 : memref<!tpu.dma_semaphore, #tpu.memory_space<semaphore_mem>>)
      %dma_wait3A_37 = arith.constant 0 : i32
      %dma_wait3A_38 = arith.constant 0 : i32
      %dma_wait3A_39 = tpu.memref_slice %arg4[%dma_wait3A_37, %dma_wait3A_38] : memref<10000x128xf32, #tpu.memory_space<hbm>> -> memref<10000x128xf32, #tpu.memory_space<hbm>>
      tpu.wait_indirect_dma semaphore(%arg14 : memref<!tpu.dma_semaphore, #tpu.memory_space<semaphore_mem>>) src(%dma_wait3A_39 : memref<10000x128xf32, #tpu.memory_space<hbm>>) dst(%arg10 : memref<128x128xf32, #tpu.memory_space<vmem>>)
      "tpu.region"() ({
        %run_scoped3A = tpu.sem_alloc : memref<!tpu.dma_semaphore, #tpu.memory_space<semaphore_mem>>
        %dma_start3A_40 = arith.constant 0 : i32
        %dma_start3A_41 = arith.constant 0 : i32
        %dma_start3A_42 = tpu.memref_slice %arg13[%dma_start3A_40, %dma_start3A_41] : memref<10000x128xf32, #tpu.memory_space<vmem_shared>> -> memref<10000x128xf32, #tpu.memory_space<vmem_shared>>
        tpu.enqueue_indirect_dma source(%arg10 : memref<128x128xf32, #tpu.memory_space<vmem>>) target(%dma_start3A_42 : memref<10000x128xf32, #tpu.memory_space<vmem_shared>>) offsets(%arg7 : memref<128xi32, #tpu.memory_space<vmem>>) semaphore(%run_scoped3A : memref<!tpu.dma_semaphore, #tpu.memory_space<semaphore_mem>>) {add = true}
        %dma_wait3A_43 = arith.constant 0 : i32
        %dma_wait3A_44 = arith.constant 0 : i32
        %dma_wait3A_45 = tpu.memref_slice %arg13[%dma_wait3A_43, %dma_wait3A_44] : memref<10000x128xf32, #tpu.memory_space<vmem_shared>> -> memref<10000x128xf32, #tpu.memory_space<vmem_shared>>
        tpu.wait_indirect_dma semaphore(%run_scoped3A : memref<!tpu.dma_semaphore, #tpu.memory_space<semaphore_mem>>) src(%arg10 : memref<128x128xf32, #tpu.memory_space<vmem>>) dst(%dma_wait3A_45 : memref<10000x128xf32, #tpu.memory_space<vmem_shared>>)
        tpu.yield
      }) : () -> ()
    }
    %scan3A_17 = arith.constant 78 : i32
    %add3A_18 = arith.constant 9984 : i32
    %add3A_19 = arith.addi %mul3A_12, %add3A_18 : i32
    "tpu.region"() ({
      %run_scoped3A = tpu.sem_alloc : memref<!tpu.dma_semaphore, #tpu.memory_space<semaphore_mem>>
      %dma_start3A_30 = tpu.memref_slice %arg2[%add3A_19] : memref<320000xi32, #tpu.memory_space<hbm>> -> memref<16xi32, #tpu.memory_space<hbm>>
      %dma_start3A_31 = tpu.memref_slice %arg2[%add3A_19] : memref<320000xi32, #tpu.memory_space<hbm>> -> memref<16xi32, #tpu.memory_space<hbm>>
      tpu.enqueue_dma source(%dma_start3A_31 : memref<16xi32, #tpu.memory_space<hbm>>) target(%arg8 : memref<16xi32, #tpu.memory_space<vmem>>) target_semaphore(%run_scoped3A : memref<!tpu.dma_semaphore, #tpu.memory_space<semaphore_mem>>)
      %dma_wait3A_32 = tpu.memref_slice %arg2[%add3A_19] : memref<320000xi32, #tpu.memory_space<hbm>> -> memref<16xi32, #tpu.memory_space<hbm>>
      %dma_wait3A_33 = tpu.memref_slice %arg2[%add3A_19] : memref<320000xi32, #tpu.memory_space<hbm>> -> memref<16xi32, #tpu.memory_space<hbm>>
      tpu.wait_dma2 semaphore(%run_scoped3A : memref<!tpu.dma_semaphore, #tpu.memory_space<semaphore_mem>>) src(%dma_wait3A_33 : memref<16xi32, #tpu.memory_space<hbm>>) dst(%arg8 : memref<16xi32, #tpu.memory_space<vmem>>)
      tpu.yield
    }) : () -> ()
    "tpu.region"() ({
      %run_scoped3A = tpu.sem_alloc : memref<!tpu.dma_semaphore, #tpu.memory_space<semaphore_mem>>
      %dma_start3A_30 = tpu.memref_slice %arg3[%add3A_19] : memref<320000xi32, #tpu.memory_space<hbm>> -> memref<16xi32, #tpu.memory_space<hbm>>
      %dma_start3A_31 = tpu.memref_slice %arg3[%add3A_19] : memref<320000xi32, #tpu.memory_space<hbm>> -> memref<16xi32, #tpu.memory_space<hbm>>
      tpu.enqueue_dma source(%dma_start3A_31 : memref<16xi32, #tpu.memory_space<hbm>>) target(%arg9 : memref<16xi32, #tpu.memory_space<vmem>>) target_semaphore(%run_scoped3A : memref<!tpu.dma_semaphore, #tpu.memory_space<semaphore_mem>>)
      %dma_wait3A_32 = tpu.memref_slice %arg3[%add3A_19] : memref<320000xi32, #tpu.memory_space<hbm>> -> memref<16xi32, #tpu.memory_space<hbm>>
      %dma_wait3A_33 = tpu.memref_slice %arg3[%add3A_19] : memref<320000xi32, #tpu.memory_space<hbm>> -> memref<16xi32, #tpu.memory_space<hbm>>
      tpu.wait_dma2 semaphore(%run_scoped3A : memref<!tpu.dma_semaphore, #tpu.memory_space<semaphore_mem>>) src(%dma_wait3A_33 : memref<16xi32, #tpu.memory_space<hbm>>) dst(%arg9 : memref<16xi32, #tpu.memory_space<vmem>>)
      tpu.yield
    }) : () -> ()
    %dma_start3A = arith.constant 0 : i32
    %dma_start3A_20 = arith.constant 0 : i32
    %dma_start3A_21 = tpu.memref_slice %arg4[%dma_start3A, %dma_start3A_20] : memref<10000x128xf32, #tpu.memory_space<hbm>> -> memref<10000x128xf32, #tpu.memory_space<hbm>>
    tpu.enqueue_indirect_dma source(%dma_start3A_21 : memref<10000x128xf32, #tpu.memory_space<hbm>>) target(%arg11 : memref<16x128xf32, #tpu.memory_space<vmem>>) offsets(%arg8 : memref<16xi32, #tpu.memory_space<vmem>>) semaphore(%arg14 : memref<!tpu.dma_semaphore, #tpu.memory_space<semaphore_mem>>)
    %dma_wait3A = arith.constant 0 : i32
    %dma_wait3A_22 = arith.constant 0 : i32
    %dma_wait3A_23 = tpu.memref_slice %arg4[%dma_wait3A, %dma_wait3A_22] : memref<10000x128xf32, #tpu.memory_space<hbm>> -> memref<10000x128xf32, #tpu.memory_space<hbm>>
    tpu.wait_indirect_dma semaphore(%arg14 : memref<!tpu.dma_semaphore, #tpu.memory_space<semaphore_mem>>) src(%dma_wait3A_23 : memref<10000x128xf32, #tpu.memory_space<hbm>>) dst(%arg11 : memref<16x128xf32, #tpu.memory_space<vmem>>)
    "tpu.region"() ({
      %run_scoped3A = tpu.sem_alloc : memref<!tpu.dma_semaphore, #tpu.memory_space<semaphore_mem>>
      %dma_start3A_30 = arith.constant 0 : i32
      %dma_start3A_31 = arith.constant 0 : i32
      %dma_start3A_32 = tpu.memref_slice %arg13[%dma_start3A_30, %dma_start3A_31] : memref<10000x128xf32, #tpu.memory_space<vmem_shared>> -> memref<10000x128xf32, #tpu.memory_space<vmem_shared>>
      tpu.enqueue_indirect_dma source(%arg11 : memref<16x128xf32, #tpu.memory_space<vmem>>) target(%dma_start3A_32 : memref<10000x128xf32, #tpu.memory_space<vmem_shared>>) offsets(%arg9 : memref<16xi32, #tpu.memory_space<vmem>>) semaphore(%run_scoped3A : memref<!tpu.dma_semaphore, #tpu.memory_space<semaphore_mem>>) {add = true}
      %dma_wait3A_33 = arith.constant 0 : i32
      %dma_wait3A_34 = arith.constant 0 : i32
      %dma_wait3A_35 = tpu.memref_slice %arg13[%dma_wait3A_33, %dma_wait3A_34] : memref<10000x128xf32, #tpu.memory_space<vmem_shared>> -> memref<10000x128xf32, #tpu.memory_space<vmem_shared>>
      tpu.wait_indirect_dma semaphore(%run_scoped3A : memref<!tpu.dma_semaphore, #tpu.memory_space<semaphore_mem>>) src(%arg11 : memref<16x128xf32, #tpu.memory_space<vmem>>) dst(%dma_wait3A_35 : memref<10000x128xf32, #tpu.memory_space<vmem_shared>>)
      tpu.yield
    }) : () -> ()
    %barrier3A_24 = arith.constant 0 : index
    tpu.barrier barrier_id(%barrier3A_24)
    %scan3A_25 = arith.constant 0 : i32
    %scan3A_26 = arith.constant 5 : i32
    %scan3A_27 = arith.addi %scan3A_25, %scan3A_26 : i32
    %scan3A_28 = arith.constant 1 : i32
    scf.for %scan3A_30 = %scan3A_25 to %scan3A_27 step %scan3A_28  : i32 {
      %mul3A_31 = arith.constant 16 : i32
      %mul3A_32 = arith.muli %scan3A_30, %mul3A_31 : i32
      %add3A_33 = arith.addi %arg1, %mul3A_32 : i32
      %lt3A = arith.constant 78 : i32
      %lt3A_34 = arith.cmpi slt, %add3A_33, %lt3A : i32
      %convert_element_type3A = arith.extui %lt3A_34 : i1 to i32
      %cond3A = arith.constant 0 : i32
      %cond3A_35 = arith.cmpi ne, %convert_element_type3A, %cond3A : i32
      scf.if %cond3A_35 {
        %mul3A_40 = arith.constant 128 : i32
        %mul3A_41 = arith.muli %add3A_33, %mul3A_40 : i32
        "tpu.region"() ({
          %run_scoped3A = tpu.sem_alloc : memref<!tpu.dma_semaphore, #tpu.memory_space<semaphore_mem>>
          %dma_start3A_42 = arith.constant 0 : i32
          %dma_start3A_43 = tpu.memref_slice %arg5[%arg0, %mul3A_41, %dma_start3A_42] : memref<2x10000x128xf32, #tpu.memory_space<hbm>> -> memref<1x128x128xf32, #tpu.memory_space<hbm>>
          %dma_start3A_44 = tpu.memref_squeeze %dma_start3A_43 : memref<1x128x128xf32, #tpu.memory_space<hbm>> -> memref<128x128xf32, #tpu.memory_space<hbm>>
          %dma_start3A_45 = arith.constant 0 : i32
          %dma_start3A_46 = tpu.memref_slice %arg13[%mul3A_41, %dma_start3A_45] : memref<10000x128xf32, #tpu.memory_space<vmem_shared>> -> memref<128x128xf32, #tpu.memory_space<vmem_shared>>
          tpu.enqueue_dma source(%dma_start3A_46 : memref<128x128xf32, #tpu.memory_space<vmem_shared>>) target(%dma_start3A_44 : memref<128x128xf32, #tpu.memory_space<hbm>>) target_semaphore(%run_scoped3A : memref<!tpu.dma_semaphore, #tpu.memory_space<semaphore_mem>>)
          %dma_wait3A_47 = arith.constant 0 : i32
          %dma_wait3A_48 = tpu.memref_slice %arg5[%arg0, %mul3A_41, %dma_wait3A_47] : memref<2x10000x128xf32, #tpu.memory_space<hbm>> -> memref<1x128x128xf32, #tpu.memory_space<hbm>>
          %dma_wait3A_49 = tpu.memref_squeeze %dma_wait3A_48 : memref<1x128x128xf32, #tpu.memory_space<hbm>> -> memref<128x128xf32, #tpu.memory_space<hbm>>
          %dma_wait3A_50 = arith.constant 0 : i32
          %dma_wait3A_51 = tpu.memref_slice %arg13[%mul3A_41, %dma_wait3A_50] : memref<10000x128xf32, #tpu.memory_space<vmem_shared>> -> memref<128x128xf32, #tpu.memory_space<vmem_shared>>
          tpu.wait_dma2 semaphore(%run_scoped3A : memref<!tpu.dma_semaphore, #tpu.memory_space<semaphore_mem>>) src(%dma_wait3A_51 : memref<128x128xf32, #tpu.memory_space<vmem_shared>>) dst(%dma_wait3A_49 : memref<128x128xf32, #tpu.memory_space<hbm>>)
          tpu.yield
        }) : () -> ()
      } else {
      }
      %eq3A = arith.constant 78 : i32
      %eq3A_36 = arith.cmpi eq, %add3A_33, %eq3A : i32
      %convert_element_type3A_37 = arith.extui %eq3A_36 : i1 to i32
      %cond3A_38 = arith.constant 0 : i32
      %cond3A_39 = arith.cmpi ne, %convert_element_type3A_37, %cond3A_38 : i32
      scf.if %cond3A_39 {
        "tpu.region"() ({
          %run_scoped3A = tpu.sem_alloc : memref<!tpu.dma_semaphore, #tpu.memory_space<semaphore_mem>>
          %dma_start3A_40 = arith.constant 9984 : i32
          %dma_start3A_41 = arith.constant 0 : i32
          %dma_start3A_42 = tpu.memref_slice %arg5[%arg0, %dma_start3A_40, %dma_start3A_41] : memref<2x10000x128xf32, #tpu.memory_space<hbm>> -> memref<1x16x128xf32, #tpu.memory_space<hbm>>
          %dma_start3A_43 = tpu.memref_squeeze %dma_start3A_42 : memref<1x16x128xf32, #tpu.memory_space<hbm>> -> memref<16x128xf32, #tpu.memory_space<hbm>>
          %dma_start3A_44 = arith.constant 9984 : i32
          %dma_start3A_45 = arith.constant 0 : i32
          %dma_start3A_46 = tpu.memref_slice %arg13[%dma_start3A_44, %dma_start3A_45] : memref<10000x128xf32, #tpu.memory_space<vmem_shared>> -> memref<16x128xf32, #tpu.memory_space<vmem_shared>>
          tpu.enqueue_dma source(%dma_start3A_46 : memref<16x128xf32, #tpu.memory_space<vmem_shared>>) target(%dma_start3A_43 : memref<16x128xf32, #tpu.memory_space<hbm>>) target_semaphore(%run_scoped3A : memref<!tpu.dma_semaphore, #tpu.memory_space<semaphore_mem>>)
          %dma_wait3A_47 = arith.constant 9984 : i32
          %dma_wait3A_48 = arith.constant 0 : i32
          %dma_wait3A_49 = tpu.memref_slice %arg5[%arg0, %dma_wait3A_47, %dma_wait3A_48] : memref<2x10000x128xf32, #tpu.memory_space<hbm>> -> memref<1x16x128xf32, #tpu.memory_space<hbm>>
          %dma_wait3A_50 = tpu.memref_squeeze %dma_wait3A_49 : memref<1x16x128xf32, #tpu.memory_space<hbm>> -> memref<16x128xf32, #tpu.memory_space<hbm>>
          %dma_wait3A_51 = arith.constant 9984 : i32
          %dma_wait3A_52 = arith.constant 0 : i32
          %dma_wait3A_53 = tpu.memref_slice %arg13[%dma_wait3A_51, %dma_wait3A_52] : memref<10000x128xf32, #tpu.memory_space<vmem_shared>> -> memref<16x128xf32, #tpu.memory_space<vmem_shared>>
          tpu.wait_dma2 semaphore(%run_scoped3A : memref<!tpu.dma_semaphore, #tpu.memory_space<semaphore_mem>>) src(%dma_wait3A_53 : memref<16x128xf32, #tpu.memory_space<vmem_shared>>) dst(%dma_wait3A_50 : memref<16x128xf32, #tpu.memory_space<hbm>>)
          tpu.yield
        }) : () -> ()
      } else {
      }
    }
    %scan3A_29 = arith.constant 5 : i32
    return
  }
}

module attributes {stable_mosaic.version = 14 : i64} {
  func.func @_tc_a_body(%arg0: i32, %arg1: memref<2000x128xf32, #tpu.memory_space<vmem>>, %arg2: memref<2000x128xf32, #tpu.memory_space<vmem>>, %arg3: memref<128x128xf32, #tpu.memory_space<vmem>>, %arg4: memref<2000x128xf32, #tpu.memory_space<vmem>>) attributes {dimension_semantics = [#tpu.dimension_semantics<arbitrary>], iteration_bounds = array<i64: 5>, scalar_prefetch = 0 : i64, scratch_operands = 0 : i64, tpu.core_type = #tpu.core_type<tc>, window_params = [{transform_indices = @transform_0, window_bounds = array<i64: 2000, 128>}, {transform_indices = @transform_1, window_bounds = array<i64: 2000, 128>}, {pipeline_mode = #tpu.pipeline_mode<synchronous>, transform_indices = @transform_2, window_bounds = array<i64: 128, 128>}, {transform_indices = @transform_3, window_bounds = array<i64: 2000, 128>}]} {
    %get3A = arith.constant 0 : index
    %get3A_0 = arith.constant 0 : index
    %get3A_1 = vector.load %arg2[%get3A, %get3A_0] : memref<2000x128xf32, #tpu.memory_space<vmem>>, vector<2000x128xf32>
    %get3A_2 = arith.constant 0 : index
    %get3A_3 = arith.constant 0 : index
    %get3A_4 = vector.load %arg3[%get3A_2, %get3A_3] : memref<128x128xf32, #tpu.memory_space<vmem>>, vector<128x128xf32>
    %dot_general3A = arith.constant dense<0.000000e+00> : vector<2000x128xf32>
    %dot_general3A_5 = tpu.matmul %get3A_1, %get3A_4, %dot_general3A {dimension_numbers = #tpu.dot_dimension_numbers<[1], [0], [0], [1], [0, 0, 1, 1], [], []>, precision = #tpu.contract_precision<fp32>, transpose_lhs_hint = false} : vector<2000x128xf32>, vector<128x128xf32>, vector<2000x128xf32> -> vector<2000x128xf32>
    %get3A_6 = arith.constant 0 : index
    %get3A_7 = arith.constant 0 : index
    %get3A_8 = vector.load %arg1[%get3A_6, %get3A_7] : memref<2000x128xf32, #tpu.memory_space<vmem>>, vector<2000x128xf32>
    %rsqrt3A = math.rsqrt %get3A_8 : vector<2000x128xf32>
    %mul3A = arith.mulf %rsqrt3A, %dot_general3A_5 : vector<2000x128xf32>
    %swap3A = arith.constant 0 : index
    %swap3A_9 = arith.constant 0 : index
    %swap3A_10 = vector.load %arg4[%swap3A, %swap3A_9] : memref<2000x128xf32, #tpu.memory_space<vmem>>, vector<2000x128xf32>
    tpu.vector_store %arg4[%swap3A, %swap3A_9], %mul3A {strides = array<i32>} : memref<2000x128xf32, #tpu.memory_space<vmem>>, vector<2000x128xf32>,
    return
  }
  func.func @transform_0(%arg0: i32) -> (i32, i32) {
    %c0_i32 = arith.constant 0 : i32
    %c0_i32_0 = arith.constant 0 : i32
    return %arg0, %c0_i32 : i32, i32
  }
  func.func @transform_1(%arg0: i32) -> (i32, i32) {
    %c0_i32 = arith.constant 0 : i32
    %c0_i32_0 = arith.constant 0 : i32
    return %arg0, %c0_i32 : i32, i32
  }
  func.func @transform_2(%arg0: i32) -> (i32, i32) {
    %c0_i32 = arith.constant 0 : i32
    %c0_i32_0 = arith.constant 0 : i32
    %c0_i32_1 = arith.constant 0 : i32
    return %c0_i32, %c0_i32_0 : i32, i32
  }
  func.func @transform_3(%arg0: i32) -> (i32, i32) {
    %c0_i32 = arith.constant 0 : i32
    %c0_i32_0 = arith.constant 0 : i32
    return %arg0, %c0_i32 : i32, i32
  }
}

module attributes {stable_mosaic.version = 14 : i64} {
  func.func @_tc_b_body(%arg0: i32, %arg1: memref<2000x128xf32, #tpu.memory_space<vmem>>, %arg2: memref<2x2000x128xf32, #tpu.memory_space<vmem>>, %arg3: memref<2000x128xf32, #tpu.memory_space<vmem>>, %arg4: memref<1x128xf32, #tpu.memory_space<vmem>>, %arg5: memref<128x128xf32, #tpu.memory_space<vmem>>, %arg6: memref<2000x128xf32, #tpu.memory_space<vmem>>) attributes {dimension_semantics = [#tpu.dimension_semantics<arbitrary>], iteration_bounds = array<i64: 5>, scalar_prefetch = 0 : i64, scratch_operands = 0 : i64, tpu.core_type = #tpu.core_type<tc>, window_params = [{transform_indices = @transform_0, window_bounds = array<i64: 2000, 128>}, {transform_indices = @transform_1, window_bounds = array<i64: 2, 2000, 128>}, {transform_indices = @transform_2, window_bounds = array<i64: 2000, 128>}, {pipeline_mode = #tpu.pipeline_mode<synchronous>, transform_indices = @transform_3, window_bounds = array<i64: 1, 128>}, {pipeline_mode = #tpu.pipeline_mode<synchronous>, transform_indices = @transform_4, window_bounds = array<i64: 128, 128>}, {transform_indices = @transform_5, window_bounds = array<i64: 2000, 128>}]} {
    %get3A = arith.constant 0 : index
    %get3A_0 = arith.constant 0 : index
    %get3A_1 = vector.load %arg1[%get3A, %get3A_0] : memref<2000x128xf32, #tpu.memory_space<vmem>>, vector<2000x128xf32>
    %rsqrt3A = math.rsqrt %get3A_1 : vector<2000x128xf32>
    %get3A_2 = arith.constant 0 : index
    %get3A_3 = arith.constant 0 : index
    %get3A_4 = arith.constant 0 : index
    %get3A_5 = vector.load %arg2[%get3A_2, %get3A_3, %get3A_4] : memref<2x2000x128xf32, #tpu.memory_space<vmem>>, vector<2x2000x128xf32>
    %slice3A = vector.extract_strided_slice %get3A_5 {offsets = [0, 0, 0], sizes = [1, 2000, 128], strides = [1, 1, 1]} : vector<2x2000x128xf32> to vector<1x2000x128xf32>
    %squeeze3A = vector.shape_cast %slice3A : vector<1x2000x128xf32> to vector<2000x128xf32>
    %slice3A_6 = vector.extract_strided_slice %get3A_5 {offsets = [1, 0, 0], sizes = [1, 2000, 128], strides = [1, 1, 1]} : vector<2x2000x128xf32> to vector<1x2000x128xf32>
    %squeeze3A_7 = vector.shape_cast %slice3A_6 : vector<1x2000x128xf32> to vector<2000x128xf32>
    %add3A = arith.addf %squeeze3A, %squeeze3A_7 : vector<2000x128xf32>
    %get3A_8 = arith.constant 0 : index
    %get3A_9 = arith.constant 0 : index
    %get3A_10 = vector.load %arg3[%get3A_8, %get3A_9] : memref<2000x128xf32, #tpu.memory_space<vmem>>, vector<2000x128xf32>
    %add3A_11 = arith.addf %add3A, %get3A_10 : vector<2000x128xf32>
    %mul3A = arith.mulf %rsqrt3A, %add3A_11 : vector<2000x128xf32>
    %get3A_12 = arith.constant 0 : index
    %get3A_13 = arith.constant 0 : index
    %get3A_14 = vector.load %arg4[%get3A_12, %get3A_13] : memref<1x128xf32, #tpu.memory_space<vmem>>, vector<1x128xf32>
    %add3A_15 = vector.broadcast %get3A_14 : vector<1x128xf32> to vector<2000x128xf32>
    %add3A_16 = arith.addf %mul3A, %add3A_15 : vector<2000x128xf32>
    %max3A = arith.constant 0.000000e+00 : f32
    %max3A_17 = vector.broadcast %max3A : f32 to vector<2000x128xf32>
    %max3A_18 = arith.maximumf %add3A_16, %max3A_17 : vector<2000x128xf32>
    %get3A_19 = arith.constant 0 : index
    %get3A_20 = arith.constant 0 : index
    %get3A_21 = vector.load %arg5[%get3A_19, %get3A_20] : memref<128x128xf32, #tpu.memory_space<vmem>>, vector<128x128xf32>
    %dot_general3A = arith.constant dense<0.000000e+00> : vector<2000x128xf32>
    %dot_general3A_22 = tpu.matmul %max3A_18, %get3A_21, %dot_general3A {dimension_numbers = #tpu.dot_dimension_numbers<[1], [0], [0], [1], [0, 0, 1, 1], [], []>, precision = #tpu.contract_precision<fp32>, transpose_lhs_hint = false} : vector<2000x128xf32>, vector<128x128xf32>, vector<2000x128xf32> -> vector<2000x128xf32>
    %mul3A_23 = arith.mulf %rsqrt3A, %dot_general3A_22 : vector<2000x128xf32>
    %swap3A = arith.constant 0 : index
    %swap3A_24 = arith.constant 0 : index
    %swap3A_25 = vector.load %arg6[%swap3A, %swap3A_24] : memref<2000x128xf32, #tpu.memory_space<vmem>>, vector<2000x128xf32>
    tpu.vector_store %arg6[%swap3A, %swap3A_24], %mul3A_23 {strides = array<i32>} : memref<2000x128xf32, #tpu.memory_space<vmem>>, vector<2000x128xf32>,
    return
  }
  func.func @transform_0(%arg0: i32) -> (i32, i32) {
    %c0_i32 = arith.constant 0 : i32
    %c0_i32_0 = arith.constant 0 : i32
    return %arg0, %c0_i32 : i32, i32
  }
  func.func @transform_1(%arg0: i32) -> (i32, i32, i32) {
    %c0_i32 = arith.constant 0 : i32
    %c0_i32_0 = arith.constant 0 : i32
    %c0_i32_1 = arith.constant 0 : i32
    return %c0_i32, %arg0, %c0_i32_0 : i32, i32, i32
  }
  func.func @transform_2(%arg0: i32) -> (i32, i32) {
    %c0_i32 = arith.constant 0 : i32
    %c0_i32_0 = arith.constant 0 : i32
    return %arg0, %c0_i32 : i32, i32
  }
  func.func @transform_3(%arg0: i32) -> (i32, i32) {
    %c0_i32 = arith.constant 0 : i32
    %c0_i32_0 = arith.constant 0 : i32
    %c0_i32_1 = arith.constant 0 : i32
    return %c0_i32, %c0_i32_0 : i32, i32
  }
  func.func @transform_4(%arg0: i32) -> (i32, i32) {
    %c0_i32 = arith.constant 0 : i32
    %c0_i32_0 = arith.constant 0 : i32
    %c0_i32_1 = arith.constant 0 : i32
    return %c0_i32, %c0_i32_0 : i32, i32
  }
  func.func @transform_5(%arg0: i32) -> (i32, i32) {
    %c0_i32 = arith.constant 0 : i32
    %c0_i32_0 = arith.constant 0 : i32
    return %arg0, %c0_i32 : i32, i32
  }
}

module attributes {stable_mosaic.version = 14 : i64} {
  func.func @_tc_c_body(%arg0: i32, %arg1: memref<2000x128xf32, #tpu.memory_space<vmem>>, %arg2: memref<2x2000x128xf32, #tpu.memory_space<vmem>>, %arg3: memref<2000x128xf32, #tpu.memory_space<vmem>>, %arg4: memref<1x128xf32, #tpu.memory_space<vmem>>, %arg5: memref<2000x128xf32, #tpu.memory_space<vmem>>) attributes {dimension_semantics = [#tpu.dimension_semantics<arbitrary>], iteration_bounds = array<i64: 5>, scalar_prefetch = 0 : i64, scratch_operands = 0 : i64, tpu.core_type = #tpu.core_type<tc>, window_params = [{transform_indices = @transform_0, window_bounds = array<i64: 2000, 128>}, {transform_indices = @transform_1, window_bounds = array<i64: 2, 2000, 128>}, {transform_indices = @transform_2, window_bounds = array<i64: 2000, 128>}, {pipeline_mode = #tpu.pipeline_mode<synchronous>, transform_indices = @transform_3, window_bounds = array<i64: 1, 128>}, {transform_indices = @transform_4, window_bounds = array<i64: 2000, 128>}]} {
    %get3A = arith.constant 0 : index
    %get3A_0 = arith.constant 0 : index
    %get3A_1 = vector.load %arg1[%get3A, %get3A_0] : memref<2000x128xf32, #tpu.memory_space<vmem>>, vector<2000x128xf32>
    %rsqrt3A = math.rsqrt %get3A_1 : vector<2000x128xf32>
    %get3A_2 = arith.constant 0 : index
    %get3A_3 = arith.constant 0 : index
    %get3A_4 = arith.constant 0 : index
    %get3A_5 = vector.load %arg2[%get3A_2, %get3A_3, %get3A_4] : memref<2x2000x128xf32, #tpu.memory_space<vmem>>, vector<2x2000x128xf32>
    %slice3A = vector.extract_strided_slice %get3A_5 {offsets = [0, 0, 0], sizes = [1, 2000, 128], strides = [1, 1, 1]} : vector<2x2000x128xf32> to vector<1x2000x128xf32>
    %squeeze3A = vector.shape_cast %slice3A : vector<1x2000x128xf32> to vector<2000x128xf32>
    %slice3A_6 = vector.extract_strided_slice %get3A_5 {offsets = [1, 0, 0], sizes = [1, 2000, 128], strides = [1, 1, 1]} : vector<2x2000x128xf32> to vector<1x2000x128xf32>
    %squeeze3A_7 = vector.shape_cast %slice3A_6 : vector<1x2000x128xf32> to vector<2000x128xf32>
    %add3A = arith.addf %squeeze3A, %squeeze3A_7 : vector<2000x128xf32>
    %get3A_8 = arith.constant 0 : index
    %get3A_9 = arith.constant 0 : index
    %get3A_10 = vector.load %arg3[%get3A_8, %get3A_9] : memref<2000x128xf32, #tpu.memory_space<vmem>>, vector<2000x128xf32>
    %add3A_11 = arith.addf %add3A, %get3A_10 : vector<2000x128xf32>
    %mul3A = arith.mulf %rsqrt3A, %add3A_11 : vector<2000x128xf32>
    %get3A_12 = arith.constant 0 : index
    %get3A_13 = arith.constant 0 : index
    %get3A_14 = vector.load %arg4[%get3A_12, %get3A_13] : memref<1x128xf32, #tpu.memory_space<vmem>>, vector<1x128xf32>
    %add3A_15 = vector.broadcast %get3A_14 : vector<1x128xf32> to vector<2000x128xf32>
    %add3A_16 = arith.addf %mul3A, %add3A_15 : vector<2000x128xf32>
    %swap3A = arith.constant 0 : index
    %swap3A_17 = arith.constant 0 : index
    %swap3A_18 = vector.load %arg5[%swap3A, %swap3A_17] : memref<2000x128xf32, #tpu.memory_space<vmem>>, vector<2000x128xf32>
    tpu.vector_store %arg5[%swap3A, %swap3A_17], %add3A_16 {strides = array<i32>} : memref<2000x128xf32, #tpu.memory_space<vmem>>, vector<2000x128xf32>,
    return
  }
  func.func @transform_0(%arg0: i32) -> (i32, i32) {
    %c0_i32 = arith.constant 0 : i32
    %c0_i32_0 = arith.constant 0 : i32
    return %arg0, %c0_i32 : i32, i32
  }
  func.func @transform_1(%arg0: i32) -> (i32, i32, i32) {
    %c0_i32 = arith.constant 0 : i32
    %c0_i32_0 = arith.constant 0 : i32
    %c0_i32_1 = arith.constant 0 : i32
    return %c0_i32, %arg0, %c0_i32_0 : i32, i32, i32
  }
  func.func @transform_2(%arg0: i32) -> (i32, i32) {
    %c0_i32 = arith.constant 0 : i32
    %c0_i32_0 = arith.constant 0 : i32
    return %arg0, %c0_i32 : i32, i32
  }
  func.func @transform_3(%arg0: i32) -> (i32, i32) {
    %c0_i32 = arith.constant 0 : i32
    %c0_i32_0 = arith.constant 0 : i32
    %c0_i32_1 = arith.constant 0 : i32
    return %c0_i32, %c0_i32_0 : i32, i32
  }
  func.func @transform_4(%arg0: i32) -> (i32, i32) {
    %c0_i32 = arith.constant 0 : i32
    %c0_i32_0 = arith.constant 0 : i32
    return %arg0, %c0_i32 : i32, i32
  }
}

</mosaic_0001>

<sc_bundles>
// kernel: kernel.11.cloned.1.call-start
scs
__scs_entry_jumppad:
0x0: {  	(pc) =	sbr.rel $0x88, $3  }
0x1: {  	(tag) =	ssettag $0x0;
	lr =	simm.s32 $0x1  }
0x2: {  	[smem:$0x3F9A] =	sst lr;
	_ =	strace $0xD0000000  }
0x3: {  	_ = 	snop  }
0x4: {  	_ = 	snop  }
0x5: {  	_ = 	snop  }
0x6: {  	_ = 	snop  }
0x7: {  	_ = 	snop  }
__scs_overlays_trampoline_lowered:
0x8: {  	[smem:$0x3FA9] =	sst s0  }
0x9: {  	[smem:$0x3FAA] =	sst s1  }
0xa: {  	[smem:$0x3FAB] =	sst s2  }
0xb: {  	[smem:$0x3FAC] =	sst s3  }
0xc: {  	[smem:$0x3FAD] =	sst s4  }
0xd: {  	[smem:$0x3FAE] =	sst s5  }
0xe: {  	[smem:$0x3FAF] =	sst s6  }
0xf: {  	[smem:$0x3FB0] =	sst s7  }
0x10: {  	[smem:$0x3FB1] =	sst s8  }
0x11: {  	[smem:$0x3FB2] =	sst s9;
	s0 =	simm.s32 @!p0 $0x0  }
0x12: {  	s1 =	sld [smem:$0x3F98];
	s0 =	simm.s32 @p0 $0x1  }
0x13: {  	[smem:$0x3FB3] =	sst s0;
	s0 =	simm.s32 @!p1 $0x0  }
0x14: {  	s2 =	sld [smem:$0x3F97];
	s0 =	simm.s32 @p1 $0x1  }
0x15: {  	[smem:$0x3FB4] =	sst s0;
	s0 =	simm.s32 @!p2 $0x0  }
0x16: {  	s3 =	sld [smem:$0x3FDB];
	s0 =	simm.s32 @p2 $0x1  }
0x17: {  	s4 =	simm.s32 $0x1BF5;
	[smem:$0x3FB6] =	sst s0  }
0x18: {  	s0 =	sld [smem:$0x3F99];
	_ =	swait.ge [sflag:s4], $0x0  }
0x19: {  	s7 =	sld [smem:$0x3F9A]  }
0x1a: {  	s8 =	sadd.s32 $0xFFFFE003, lr  }
0x1b: {  	s9 =	sadd.s32 $0xFFFFFEF7, lr;
	s5 =	simm.s32 $0xFFFFFFFF;
	p2 =	slt.u32 s8, $0xFFFFF086  }
0x1c: {  	p1 =	slt.u32 s9, $0xF7A;
	s5 =	simm.s32 @!p2 $0x0  }
0x1d: {  	s5 =	simm.s32 @p1 $0x1;
	p0 =	seq.s32 s7, s2  }
0x1e: {  	s7 =	smul.u32 @!p0 $0xF7A, s2;
	p2 =	seq.s32 @!p0 s5, $0x0  }
0x1f: {  	s9 =	smul.u32 $0xF7A, s1;
	s8 =	simm.s32 @!p0 $0x1BF5;
	p2 =	por !p2, p0  }
0x20: {  	[sflag:s8] =	ssyncset.s32 @!p0 $0xFFFFF086;
	s6 =	sadd.s32 @!p0 s3, s7;
	s7 =	simm.s32 @!p0 $0x108  }
0x21: {  	s3 =	sadd.s32 s3, s9;
	s6 =	sadd.s32 @!p0 $0x88, s6;
	s7 =	simm.s32 @p2 $0x1082  }
0x22: {  	[simem:s7], [sflag:s8] =	dma.local @!p0 [hbm:s6], $0xF7A  }
0x23: {  	s9 =	sor.u32 $0xD0000000, s2;
	s6 =	simm.s32 $0x108;
	_ =	swait.ge @!p0 [sflag:s8], $0x0  }
0x24: {  	s3 =	sadd.s32 $0x88, s3;
	s6 =	simm.s32 @!p1 $0x1082;
	[sflag:s4] =	ssyncset.s32 $0xFFFFF086  }
0x25: {  	[simem:s6], [sflag:s4] =	dma.local [hbm:s3], $0xF7A  }
0x26: {  	[smem:$0x3F9A] =	sst s1;
	(tag) =	ssettag s2;
	_ =	strace s9  }
0x27: {  	s1 =	sld [smem:$0x3FAA]  }
0x28: {  	s2 =	sld [smem:$0x3FAB]  }
0x29: {  	s4 =	sld [smem:$0x3FAD]  }
0x2a: {  	p0 =	seq.s32 s5, $0x0;
	s5 =	sld [smem:$0x3FAE]  }
0x2b: {  	s6 =	sld [smem:$0x3FAF]  }
0x2c: {  	s7 =	sld [smem:$0x3FB0]  }
0x2d: {  	s3 =	simm.s32 $0x108;
	s8 =	sld [smem:$0x3FB1]  }
0x2e: {  	s3 =	simm.s32 @!p0 $0x1082;
	s9 =	sld [smem:$0x3FB2]  }
0x2f: {  	lr =	sadd.s32 s0, s3;
	s0 =	sld [smem:$0x3FA9]  }
0x30: {  	s3 =	sld [smem:$0x3FAC]  }
0x31: {  	[smem:$0x3FB5] =	sst s10  }
0x32: {  	s10 =	sld [smem:$0x3FB3];
	_ =	sdelay $0x3  }
0x33: {  	p0 =	seq.s32 s10, $0x1;
	s10 =	sld [smem:$0x3FB5];
	_ =	sdelay $0x3  }
0x34: {  	[smem:$0x3FB5] =	sst s10  }
0x35: {  	s10 =	sld [smem:$0x3FB4];
	_ =	sdelay $0x3  }
0x36: {  	p1 =	seq.s32 s10, $0x1;
	s10 =	sld [smem:$0x3FB5];
	_ =	sdelay $0x3  }
0x37: {  	[smem:$0x3FB5] =	sst s10  }
0x38: {  	s10 =	sld [smem:$0x3FB6]  }
0x39: {  	_ = 	snop;
	(pc) =	sbr.ind lr, $3  }
0x3a: {  	_ = 	snop  }
0x3b: {  	_ = 	snop  }
0x3c: {  	p2 =	seq.s32 s10, $0x1;
	s10 =	sld [smem:$0x3FB5]  }
0x3d: {  	_ =	shalt  }
0x3e: {  	_ =	shalt  }
0x3f: {  	_ =	shalt  }
0x40: {  	_ =	shalt  }
0x41: {  	_ =	shalt  }
0x42: {  	_ =	shalt  }
0x43: {  	_ =	shalt  }
0x44: {  	_ =	shalt  }
0x45: {  	_ =	shalt  }
0x46: {  	_ =	shalt  }
0x47: {  	_ =	shalt  }
0x48: {  	_ =	shalt  }
0x49: {  	_ =	shalt  }
0x4a: {  	_ =	shalt  }
0x4b: {  	_ =	shalt  }
0x4c: {  	_ =	shalt  }
0x4d: {  	_ =	shalt  }
0x4e: {  	_ =	shalt  }
0x4f: {  	_ =	shalt  }
0x50: {  	_ =	shalt  }
0x51: {  	_ =	shalt  }
0x52: {  	_ =	shalt  }
0x53: {  	_ =	shalt  }
0x54: {  	_ =	shalt  }
0x55: {  	_ =	shalt  }
0x56: {  	_ =	shalt  }
0x57: {  	_ =	shalt  }
0x58: {  	_ =	shalt  }
0x59: {  	_ =	shalt  }
0x5a: {  	_ =	shalt  }
0x5b: {  	_ =	shalt  }
0x5c: {  	_ =	shalt  }
0x5d: {  	_ =	shalt  }
0x5e: {  	_ =	shalt  }
0x5f: {  	_ =	shalt  }
0x60: {  	_ =	shalt  }
0x61: {  	_ =	shalt  }
0x62: {  	_ =	shalt  }
0x63: {  	_ =	shalt  }
0x64: {  	_ =	shalt  }
0x65: {  	_ =	shalt  }
0x66: {  	_ =	shalt  }
0x67: {  	_ =	shalt  }
0x68: {  	_ =	shalt  }
0x69: {  	_ =	shalt  }
0x6a: {  	_ =	shalt  }
0x6b: {  	_ =	shalt  }
0x6c: {  	_ =	shalt  }
0x6d: {  	_ =	shalt  }
0x6e: {  	_ =	shalt  }
0x6f: {  	_ =	shalt  }
0x70: {  	_ =	shalt  }
0x71: {  	_ =	shalt  }
0x72: {  	_ =	shalt  }
0x73: {  	_ =	shalt  }
0x74: {  	_ =	shalt  }
0x75: {  	_ =	shalt  }
0x76: {  	_ =	shalt  }
0x77: {  	_ =	shalt  }
0x78: {  	_ =	shalt  }
0x79: {  	_ =	shalt  }
0x7a: {  	_ =	shalt  }
0x7b: {  	_ =	shalt  }
0x7c: {  	_ =	shalt  }
0x7d: {  	_ =	shalt  }
0x7e: {  	_ =	shalt  }
0x7f: {  	_ =	shalt  }
0x80: {  	_ =	shalt  }
0x81: {  	_ =	shalt  }
0x82: {  	_ =	shalt  }
0x83: {  	_ =	shalt  }
0x84: {  	_ =	shalt  }
0x85: {  	_ =	shalt  }
0x86: {  	_ =	shalt  }
0x87: {  	_ =	shalt  }
.Lfunc_end0:
.L_simem_size_0:
called_computation.1_lowered:
.L_overlay_start_0:
0x88: {  	s2 =	sld [smem:$0x3FD9]  }
0x89: {  	s3 =	sld [smem:$0x3FFE];
	_ =	sdelay $0x1  }
0x8a: {  	s1 =	srdreg.scid  }
0x8b: {  	s0 =	sand.u32 $0x1, s1  }
0x8c: {  	s17 =	sshll.u32 s0, $0xA;
	s2 =	sadd.s32 s3, s2  }
0x8d: {  	s2 =	sadd.s32 s2, s17  }
0x8e: {  	[smem:$0x3FC1] =	sst s2  }
0x8f: {  	_ = 	snop  }
0x90: {  	s2 =	sld [smem:$0x3FD0];
	(tm) =	ssettm $0x1  }
0x91: {  	s18 =	sld [smem:$0x3FFB];
	_ =	sdelay $0x3  }
0x92: {  	_ =	strace s18  }
0x93: {  	s3 =	sld [smem:$0x3FFC];
	_ =	sdelay $0x3  }
0x94: {  	_ =	strace s3  }
0x95: {  	s3 =	sld [smem:$0x3FFD];
	_ =	sdelay $0x3  }
0x96: {  	_ =	strace s3  }
0x97: {  	_ =	strace $0x8FFFFFFF  }
0x98: {  	s19 =	sld [smem:$0x3FDB];
	_ =	sdelay $0x1  }
0x99: {  	s4 =	simm.s32 $_scs_section_size  }
0x9a: {  	s5 =	simm.s32 $_size__tile_overlayer_lowered;
	s6 =	simm.s32 $_tile_overlayer_lowered  }
0x9b: {  	s22 =	simm.s32 $0x1BFF;
	s21 =	sshll.u32 s6, $0x1;
	s3 =	sadd.s32 s4, s19  }
0x9c: {  	s7 =	simm.s32 $0x0;
	s20 =	sshll.u32 s5, $0x1;
	s5 =	sadd.s32 s21, s3  }
0x9d: {  	[timem:s7], [sflag:s22] =	dma.local [hbm:s5], s20  }
0x9e: {  	_ =	swait.ge [sflag:s22], s20  }
0x9f: {  	s4 =	ssub.s32 $0x0, s20;
	[sflag:s22] =	ssyncset.done $0x0  }
0xa0: {  	[sflag:s22] =	ssyncadd.s32 s4;
	_ =	sdelay $0x1  }
0xa1: {  	s23 =	simm.s32 $0x1B8B  }
0xa2: {  	_ =	swait.ge [sflag:s23], $0x1  }
0xa3: {  	[sflag:s23] =	ssyncset.done $0x0  }
0xa4: {  	s25 =	simm.s32 $0x1B8E;
	s24 =	sld [smem:$0x3FFE];
	[sflag:s23] =	ssyncadd.s32 $0xFFFFFFFF  }
0xa5: {  	s26 =	simm.s32 $execute0_lowered;
	[smem:$0x3FD2] =	sst s25  }
0xa6: {  	s5 =	sshll.u32 s26, $0x1;
	_ =	strace $0x80000049;
	[dreg:$0x1] =	wrdreg $0xFFFFFFFF  }
0xa7: {  	s28 =	simm.s32 $_size_execute0_lowered;
	s3 =	sadd.s32 s3, s5;
	[dreg:$0x0] =	wrdreg $0x0  }
0xa8: {  	s5 =	sshll.u32 s28, $0x1;
	[dreg:$0x2] =	wrdreg s3  }
0xa9: {  	[dreg:$0x3] =	wrdreg s5  }
0xaa: {  	[dreg:$0x4] =	wrdreg $0xC0  }
0xab: {  	_ =	task [dreg:s7], $0x5FFFF  }
0xac: {  	[dreg:$0x1] =	wrdreg $0xFFFFFFFF  }
0xad: {  	[dreg:$0x0] =	wrdreg $0x60  }
0xae: {  	[dreg:$0x2] =	wrdreg s24  }
0xaf: {  	[dreg:$0x3] =	wrdreg s2  }
0xb0: {  	[dreg:$0x4] =	wrdreg $0x8A000  }
0xb1: {  	[dreg:$0x5] =	wrdreg $0x9  }
0xb2: {  	_ =	task.clear_ibuf [dreg:s7], $0x6FFFF;
	_ =	strace $0x90000049  }
0xb3: {  	s29 =	simm.s32 $0x9;
	_ =	strace $0x8000004B  }
0xb4: {  	_ =	swait.ge [sflag:s29], $0x1  }
0xb5: {  	[sflag:s29] =	ssyncadd.s32 $0xFFFFFFFF  }
0xb6: {  	_ =	strace $0x9000004B  }
0xb7: {  	_ =	sfence  }
0xb8: {  	s30 =	sld [smem:$0x0];
	_ =	sdelay $0x2  }
0xb9: {  	s31 =	sshll.u32 s1, $0xD;
	s1 =	sshrl.u32 s1, $0x2  }
0xba: {  	s3 =	sand.u32 $0x4000, s31;
	s1 =	sadd.s32 s1, s30  }
0xbb: {  	s0 =	sor.u32 s3, s0;
	s1 =	sshll.u32 s1, $0x11  }
0xbc: {  	s0 =	sor.u32 s1, s0  }
0xbd: {  	s0 =	sadd.s32 $0x8F2B, s0  }
0xbe: {  	[sflag:s0] =	ssyncadd.remote.s32 $0x1  }
0xbf: {  	_ =	sfence.sel $0xFFFF  }
0xc0: {  	[dreg:$0x0] =	wrdreg $0xFFFFFFFF;
	(pc) =	sbr.abs _section_cstart, $3  }
0xc1: {  	[dreg:$0x1] =	wrdreg $0xFFFFFFFF  }
0xc2: {  	_ =	task.clear_ibuf [dreg:s7], $0x2FFFF;
	_ =	strace $0x9FFFFFFF  }
0xc3: {  	(tm) =	ssettm $0x7FFFFFFF  }
tec
execute0_lowered:
.L_overlay_start_1:
0x0: {  	(tag) =	ssettag $0x1  }
0x1: {  	s0 =	rddreg [dreg:$0x0]  }
0x2: {  	s1 =	rddreg [dreg:$0x1]  }
0x3: {  	s2 =	rddreg [dreg:$0x2];
	s3 =	srdreg.scid  }
0x4: {  	s4 =	simm.s32 $0x0;
	s15 =	stileid.u32;
	s28 =	simm.s32 $0x1  }
0x5: {  	s29 =	simm.s32 $0x100;
	s30 =	simm.s32 $0x180;
	s31 =	simm.s32 $0x10  }
0x6: {  	s3 =	sand.u32 $0x1, s3;
	[smem:$0x7FF] =	sst s4;
	s6 =	sadd.s32 $0x1600, s0  }
0x7: {  	s20 =	sadd.s32 $0xB400, s0;
	s0 =	sadd.s32 $0x15200, s0;
	s14 =	sshll.u32 s15, $0xE  }
0x8: {  	s21 =	sor.u32 $0x40, s15;
	s23 =	smul.u32 $0x2710, s15;
	s5 =	sshll.u32 s3, $0x4  }
0x9: {  	_ =	strace $0x8000004A;
	s7 =	ssub.s32 $0x2, s3;
	s16 =	smul.u32 $0x138800, s3  }
0xa: {  	s17 =	sor.u32 $0x40000, s14;
	s18 =	sor.u32 $0x80000, s14;
	s19 =	sor.u32 $0xC0000, s14  }
0xb: {  	s22 =	sshll.u32 s21, $0xE;
	s3 =	smul.u32 $0x27100, s3;
	p0 =	slt.u32 s21, $0x4E  }
0xc: {  	s5 =	sor.u32 s15, s5;
	s8 =	sshrl.u32 s7, $0x1;
	s11 =	sadd.s32 s17, s2  }
0xd: {  	p1 =	sne.s32 @!p0 s15, $0xE;
	s5 =	smul.u32 $0x2710, s5;
	s7 =	ssub.s32 s7, s8  }
0xe: {  	s9 =	sshrl.u32 s16, $0x3;
	s17 =	sadd.s32 s16, s17;
	s3 =	sadd.s32 s23, s3  }
0xf: {  	s23 =	simm.s32 $0x3;
	p1 =	por p1, p0;
	s13 =	sadd.s32 s0, s9  }
0x10: {  	s7 =	smax.u32 s7, $0x1;
	s26 =	sshrl.u32 s3, $0x3;
	s12 =	sshrl.u32 s5, $0x3  }
0x11: {  	s5 =	sadd.s32 $0x138000, s2;
	[dreg:$0x7] =	wrdreg s7;
	s7 =	sadd.s32 s16, s14  }
0x12: {  	s21 =	sadd.s32 s26, s6;
	s8 =	sadd.s32 $0x4E0, s12;
	s12 =	sadd.s32 s18, s2  }
0x13: {  	s7 =	sshrl.u32 s7, $0x3;
	s18 =	sadd.s32 s16, s18;
	s10 =	sadd.s32 s6, s8  }
0x14: {  	s8 =	sadd.s32 s20, s8;
	s7 =	sadd.s32 s0, s7;
	s20 =	sadd.s32 s26, s20  }
0x15: {  	s26 =	simm.s32 $0x200;
	s6 =	simm.s32 $0x0;
	[dreg:$0x4] =	wrdreg s10  }
0x16: {  	[dreg:$0x5] =	wrdreg s8;
	s8 =	sadd.s32 $0x27000, s13;
	s10 =	sadd.s32 s14, s2  }
0x17: {  	s13 =	sadd.s32 s19, s2;
	s14 =	sadd.s32 s22, s2;
	[dreg:$0x8] =	wrdreg s7  }
0x18: {  	s7 =	sshrl.u32 s17, $0x3;
	s17 =	sshrl.u32 s18, $0x3;
	s19 =	sadd.s32 s16, s19  }
0x19: {  	s22 =	sadd.s32 s16, s22;
	[dreg:$0x6] =	wrdreg s8;
	s16 =	sadd.s32 s0, s7  }
0x1a: {  	s17 =	sadd.s32 s0, s17;
	s24 =	sshrl.u32 s19, $0x3;
	s25 =	sshrl.u32 s22, $0x3  }
0x1b: {  	s22 =	simm.s32 $0x4A00;
	s18 =	sadd.s32 s0, s24;
	s19 =	sadd.s32 s0, s25  }
0x1c: {  	v0 =	vimm.f32 $0.0e+00;
	s24 =	simm.s32 $0x2;
	s25 =	simm.s32 $0x80;
	s0 =	simm.s32 $0x4200  }
.LBB2_1:
0x1d: {  	s3 =	simm.s32 $0x0;
	s7 =	simm.s32 $0x200  }
.LBB2_2:
0x1e: {  	p2 =	sne.s32 s7, $0xFE00;
	[tilespmem:s3+$0x4A70] =	vst v0  }
0x1f: {  	[tilespmem:s3+$0x4A00] =	vst v0  }
0x20: {  	[tilespmem:s3+$0x4A10] =	vst v0  }
.Ltmp0:
0x21: {  	[tilespmem:s3+$0x4A20] =	vst v0;
	(pc) =	sbr.rel @p2 .LBB2_2-.Ltmp0, $4  }
0x22: {  	[tilespmem:s3+$0x4A30] =	vst v0  }
0x23: {  	[tilespmem:s3+$0x4A40] =	vst v0  }
0x24: {  	[tilespmem:s3+$0x4A50] =	vst v0  }
0x25: {  	[tilespmem:s3+$0x4A60] =	vst v0;
	s3 =	sshra.s32 s7, $0x2;
	s7 =	sadd.s32 $0x200, s7  }
0x26: {  	[tilespmem:s3+$0x4A70] =	vst v0  }
0x27: {  	[tilespmem:s3+$0x4A00] =	vst v0  }
0x28: {  	[tilespmem:s3+$0x4A10] =	vst v0  }
0x29: {  	[tilespmem:s3+$0x4A20] =	vst v0  }
0x2a: {  	[tilespmem:s3+$0x4A30] =	vst v0  }
0x2b: {  	[tilespmem:s3+$0x4A40] =	vst v0  }
0x2c: {  	[tilespmem:s3+$0x4A50] =	vst v0  }
0x2d: {  	[tilespmem:s3+$0x4A60] =	vst v0  }
0x2e: {  	[spmem:s10] =	stream.linear.scatter [tilespmem:s22], [sflag:$0x3], $0x4000, $0x38;
	[tilespmem:$0x1C280] =	vst v63  }
0x2f: {  	_ =	swait.ge [sflag:s23], $0x4000  }
0x30: {  	[sflag:s23] =	ssyncset.done $0x0  }
0x31: {  	[sflag:s23] =	ssyncadd.s32 $0xFFFFC000  }
0x32: {  	[spmem:s11] =	stream.linear.scatter [tilespmem:s22], [sflag:$0x3], $0x4000, $0x38;
	[tilespmem:$0x1C280] =	vst v63  }
0x33: {  	_ =	swait.ge [sflag:s23], $0x4000  }
0x34: {  	[sflag:s23] =	ssyncset.done $0x0  }
0x35: {  	[sflag:s23] =	ssyncadd.s32 $0xFFFFC000  }
0x36: {  	[spmem:s12] =	stream.linear.scatter [tilespmem:s22], [sflag:$0x3], $0x4000, $0x38;
	[tilespmem:$0x1C280] =	vst v63  }
0x37: {  	_ =	swait.ge [sflag:s23], $0x4000  }
0x38: {  	[sflag:s23] =	ssyncset.done $0x0  }
0x39: {  	[sflag:s23] =	ssyncadd.s32 $0xFFFFC000  }
0x3a: {  	[spmem:s13] =	stream.linear.scatter [tilespmem:s22], [sflag:$0x3], $0x4000, $0x38;
	[tilespmem:$0x1C280] =	vst v63  }
0x3b: {  	_ =	swait.ge [sflag:s23], $0x4000  }
0x3c: {  	[sflag:s23] =	ssyncset.done $0x0  }
0x3d: {  	s3 =	simm.s32 @p0 $0x4A00;
	[sflag:s23] =	ssyncadd.s32 $0xFFFFC000  }
0x3e: {  	[spmem:s14] =	stream.linear.scatter @p0 [tilespmem:s3], [sflag:$0x3], $0x4000, $0x38;
	[tilespmem:$0x1C280] =	vst v63  }
0x3f: {  	s3 =	simm.s32 @p0 $0x3  }
0x40: {  	_ =	swait.ge @p0 [sflag:s3], $0x4000  }
0x41: {  	[sflag:s3] =	ssyncset.done @p0 $0x0  }
0x42: {  	[sflag:s3] =	ssyncadd.s32 @p0 $0xFFFFC000;
	s3 =	simm.s32 @!p1 $0x4A00  }
0x43: {  	[spmem:s5] =	stream.linear.scatter @!p1 [tilespmem:s3], [sflag:$0x2], $0x800, $0x38;
	[tilespmem:$0x1C280] =	vst v63  }
0x44: {  	s3 =	simm.s32 @!p1 $0x2  }
0x45: {  	_ =	swait.ge @!p1 [sflag:s3], $0x800  }
0x46: {  	[sflag:s3] =	ssyncset.done @!p1 $0x0  }
0x47: {  	[sflag:s3] =	ssyncadd.s32 @!p1 $0xFFFFF800  }
0x48: {  	s9 =	sadd.s32 $0x0, s21;
	[bflag:$0x0] =	sbarrier.arrive $0xFFFF  }
0x49: {  	[tilespmem:s4], [sflag:$0x2] =	stream.linear.gather [hbm4b:s9+s4], $0x80, $0x38;
	[tilespmem:$0x1C280] =	vst v63  }
0x4a: {  	_ =	swait.ge [sflag:s24], $0x80  }
0x4b: {  	[sflag:s24] =	ssyncset.done $0x0  }
0x4c: {  	s15 =	sadd.s32 $0x0, s20;
	[sflag:s24] =	ssyncadd.s32 $0xFFFFFF80  }
0x4d: {  	[tilespmem:s25], [sflag:$0x2] =	stream.linear.gather [hbm4b:s15+s4], $0x80, $0x38;
	[tilespmem:$0x1C280] =	vst v63  }
0x4e: {  	_ =	swait.ge [sflag:s24], $0x80  }
0x4f: {  	[sflag:s24] =	ssyncset.done $0x0  }
0x50: {  	[sflag:s24] =	ssyncadd.s32 $0xFFFFFF80  }
0x51: {  	[tilespmem:s26], [sflag:$0x1] =	stream.indirect.gather [hbm4b:s1+s25], $0x80, s4, s25, $0xb8;
	[tilespmem:$0x1C280] =	vst v63  }
0x52: {  	_ =	swait.ge [sflag:s28], $0x4000  }
0x53: {  	[sflag:s28] =	ssyncset.done $0x0  }
0x54: {  	[sflag:s28] =	ssyncadd.s32 $0xFFFFC000  }
0x55: {  	[spmem:s2] =	stream.indirect.scatter.add.f32 [tilespmem:s26], [sflag:$0x2], $0x80, s25, s25, $0xb8;
	[tilespmem:$0x1C280] =	vst v63  }
0x56: {  	_ =	swait.ge [sflag:s24], $0x4000  }
0x57: {  	s7 =	simm.s32 $0x20;
	s3 =	simm.s32 $0x10;
	[sflag:s24] =	ssyncset.done $0x0  }
.LBB2_4:
0x58: {  	s8 =	sadd.s32 s3, s21  }
0x59: {  	[sflag:s24] =	ssyncadd.s32 $0xFFFFC000;
	s9 =	smov.u32 s7;
	s15 =	sadd.s32 $0x10, s7  }
0x5a: {  	[tilespmem:s4], [sflag:$0x2] =	stream.linear.gather [hbm4b:s8+s4], $0x80, $0x38;
	[tilespmem:$0x1C280] =	vst v63  }
0x5b: {  	p2 =	sne.s32 s7, $0x4D0;
	_ =	swait.ge [sflag:s24], $0x80  }
0x5c: {  	[sflag:s24] =	ssyncset.done $0x0  }
0x5d: {  	s7 =	sadd.s32 s3, s20;
	s3 =	smov.u32 s9;
	[sflag:s24] =	ssyncadd.s32 $0xFFFFFF80  }
0x5e: {  	[tilespmem:s25], [sflag:$0x2] =	stream.linear.gather [hbm4b:s7+s4], $0x80, $0x38;
	[tilespmem:$0x1C280] =	vst v63  }
0x5f: {  	_ =	swait.ge [sflag:s24], $0x80  }
0x60: {  	[sflag:s24] =	ssyncset.done $0x0  }
0x61: {  	[sflag:s24] =	ssyncadd.s32 $0xFFFFFF80  }
0x62: {  	[tilespmem:s26], [sflag:$0x1] =	stream.indirect.gather [hbm4b:s1+s25], $0x80, s4, s25, $0xb8;
	[tilespmem:$0x1C280] =	vst v63  }
0x63: {  	_ =	swait.ge [sflag:s28], $0x4000  }
.Ltmp1:
0x64: {  	[sflag:s28] =	ssyncset.done $0x0;
	(pc) =	sbr.rel @p2 .LBB2_4-.Ltmp1, $4  }
0x65: {  	[sflag:s28] =	ssyncadd.s32 $0xFFFFC000  }
0x66: {  	[spmem:s2] =	stream.indirect.scatter.add.f32 [tilespmem:s26], [sflag:$0x2], $0x80, s25, s25, $0xb8;
	[tilespmem:$0x1C280] =	vst v63  }
0x67: {  	_ =	swait.ge [sflag:s24], $0x4000  }
0x68: {  	s7 =	smov.u32 s15;
	[sflag:s24] =	ssyncset.done $0x0  }
0x69: {  	s7 =	sadd.s32 s3, s21;
	[sflag:s24] =	ssyncadd.s32 $0xFFFFC000  }
0x6a: {  	[tilespmem:s4], [sflag:$0x2] =	stream.linear.gather [hbm4b:s7+s4], $0x80, $0x38;
	[tilespmem:$0x1C280] =	vst v63  }
0x6b: {  	_ =	swait.ge [sflag:s24], $0x80  }
0x6c: {  	[sflag:s24] =	ssyncset.done $0x0  }
0x6d: {  	s9 =	sadd.s32 s3, s20;
	[sflag:s24] =	ssyncadd.s32 $0xFFFFFF80  }
0x6e: {  	[tilespmem:s25], [sflag:$0x2] =	stream.linear.gather [hbm4b:s9+s4], $0x80, $0x38;
	[tilespmem:$0x1C280] =	vst v63  }
0x6f: {  	_ =	swait.ge [sflag:s24], $0x80  }
0x70: {  	[sflag:s24] =	ssyncset.done $0x0  }
0x71: {  	[sflag:s24] =	ssyncadd.s32 $0xFFFFFF80  }
0x72: {  	[tilespmem:s26], [sflag:$0x1] =	stream.indirect.gather [hbm4b:s1+s25], $0x80, s4, s25, $0xb8;
	[tilespmem:$0x1C280] =	vst v63  }
0x73: {  	_ =	swait.ge [sflag:s28], $0x4000  }
0x74: {  	[sflag:s28] =	ssyncset.done $0x0  }
0x75: {  	[sflag:s28] =	ssyncadd.s32 $0xFFFFC000  }
0x76: {  	[spmem:s2] =	stream.indirect.scatter.add.f32 [tilespmem:s26], [sflag:$0x2], $0x80, s25, s25, $0xb8;
	[tilespmem:$0x1C280] =	vst v63  }
0x77: {  	_ =	swait.ge [sflag:s24], $0x4000  }
0x78: {  	[sflag:s24] =	ssyncset.done $0x0  }
0x79: {  	s15 =	rddreg [dreg:$0x4];
	[sflag:s24] =	ssyncadd.s32 $0xFFFFC000  }
0x7a: {  	[tilespmem:s29], [sflag:$0x2] =	stream.linear.gather [hbm4b:s15+s4], $0x10, $0x38;
	[tilespmem:$0x1C280] =	vst v63  }
0x7b: {  	_ =	swait.ge [sflag:s24], $0x10  }
0x7c: {  	[sflag:s24] =	ssyncset.done $0x0  }
0x7d: {  	s7 =	rddreg [dreg:$0x5];
	[sflag:s24] =	ssyncadd.s32 $0xFFFFFFF0  }
0x7e: {  	[tilespmem:s30], [sflag:$0x2] =	stream.linear.gather [hbm4b:s7+s4], $0x10, $0x38;
	[tilespmem:$0x1C280] =	vst v63  }
0x7f: {  	_ =	swait.ge [sflag:s24], $0x10  }
0x80: {  	[sflag:s24] =	ssyncset.done $0x0  }
0x81: {  	[sflag:s24] =	ssyncadd.s32 $0xFFFFFFF0  }
0x82: {  	[tilespmem:s0], [sflag:$0x1] =	stream.indirect.gather [hbm4b:s1+s31], $0x80, s29, s31, $0xb8;
	[tilespmem:$0x1C280] =	vst v63  }
0x83: {  	_ =	swait.ge [sflag:s28], $0x800  }
0x84: {  	[sflag:s28] =	ssyncset.done $0x0  }
0x85: {  	[sflag:s28] =	ssyncadd.s32 $0xFFFFF800  }
0x86: {  	[spmem:s2] =	stream.indirect.scatter.add.f32 [tilespmem:s0], [sflag:$0x2], $0x80, s30, s31, $0xb8;
	[tilespmem:$0x1C280] =	vst v63  }
0x87: {  	_ =	swait.ge [sflag:s24], $0x800  }
0x88: {  	[sflag:s24] =	ssyncset.done $0x0  }
0x89: {  	s9 =	stileid.u32;
	[sflag:s24] =	ssyncadd.s32 $0xFFFFF800  }
0x8a: {  	s8 =	sshll.u32 s9, $0x6;
	[bflag:$0x0] =	sbarrier.arrive $0xFFFF  }
0x8b: {  	s3 =	sor.u32 $0x1C03, s8;
	s15 =	sshrl.u32 s10, $0x3;
	s8 =	rddreg [dreg:$0x8]  }
0x8c: {  	[hbm:s8], [sflag:s3] =	dma.local [spmem:s15], $0x800  }
0x8d: {  	_ =	swait.ge [sflag:s23], $0x800  }
0x8e: {  	[sflag:s23] =	ssyncset.done $0x0  }
0x8f: {  	s8 =	sshrl.u32 s11, $0x3;
	[sflag:s23] =	ssyncadd.s32 $0xFFFFF800  }
0x90: {  	[hbm:s16], [sflag:s3] =	dma.local [spmem:s8], $0x800  }
0x91: {  	_ =	swait.ge [sflag:s23], $0x800  }
0x92: {  	[sflag:s23] =	ssyncset.done $0x0  }
0x93: {  	s15 =	sshrl.u32 s12, $0x3;
	[sflag:s23] =	ssyncadd.s32 $0xFFFFF800  }
0x94: {  	[hbm:s17], [sflag:s3] =	dma.local [spmem:s15], $0x800  }
0x95: {  	_ =	swait.ge [sflag:s23], $0x800  }
0x96: {  	[sflag:s23] =	ssyncset.done $0x0  }
0x97: {  	s8 =	sshrl.u32 s13, $0x3;
	[sflag:s23] =	ssyncadd.s32 $0xFFFFF800  }
0x98: {  	[hbm:s18], [sflag:s3] =	dma.local [spmem:s8], $0x800  }
0x99: {  	_ =	swait.ge [sflag:s23], $0x800  }
0x9a: {  	[sflag:s23] =	ssyncset.done $0x0  }
0x9b: {  	s7 =	sshrl.u32 @p0 s14, $0x3;
	[sflag:s23] =	ssyncadd.s32 $0xFFFFF800  }
0x9c: {  	[hbm:s19], [sflag:s3] =	dma.local @p0 [spmem:s7], $0x800  }
0x9d: {  	s3 =	simm.s32 @p0 $0x3  }
0x9e: {  	_ =	swait.ge @p0 [sflag:s3], $0x800  }
0x9f: {  	s7 =	sshll.u32 @!p1 s9, $0x6;
	[sflag:s3] =	ssyncset.done @p0 $0x0;
	s9 =	rddreg [dreg:$0x6]  }
0xa0: {  	[sflag:s3] =	ssyncadd.s32 @p0 $0xFFFFF800;
	s3 =	sor.u32 @!p1 $0x1C02, s7;
	s7 =	sshrl.u32 @!p1 s5, $0x3  }
0xa1: {  	[hbm:s9], [sflag:s3] =	dma.local @!p1 [spmem:s7], $0x100  }
0xa2: {  	s3 =	simm.s32 @!p1 $0x2  }
0xa3: {  	_ =	swait.ge @!p1 [sflag:s3], $0x100  }
0xa4: {  	s6 =	sadd.s32 $0x1, s6;
	s15 =	rddreg [dreg:$0x7]  }
0xa5: {  	p2 =	sne.s32 s6, s15  }
.Ltmp2:
0xa6: {  	_ = 	snop;
	(pc) =	sbr.rel @p2 .LBB2_1-.Ltmp2, $3  }
0xa7: {  	_ =	sdelay $0x1  }
0xa8: {  	[sflag:s3] =	ssyncset.done @!p1 $0x0  }
0xa9: {  	s8 =	stileid.u32;
	[sflag:s3] =	ssyncadd.s32 @!p1 $0xFFFFFF00  }
0xaa: {  	_ =	sfence.sel $0x180000  }
0xab: {  	[bflag:$0x0] =	sbarrier.arrive $0xFFFF  }
0xac: {  	_ =	strace $0x9000004A  }
0xad: {  	[bflag:$0x2] =	sbarrier.arrive $0xFFFF  }
0xae: {  	p0 =	sne.s32 s8, $0x0;
	s0 =	rddreg [dreg:$0x3]  }
0xaf: {  	s0 =	sadd.s32 @!p0 $0x100000, s0  }
0xb0: {  	[sflag:s0] =	ssyncadd.tile.s32 @!p0 $0x1;
	_ =	shalt  }
.Lfunc_end2:
_tile_overlayer_lowered:
.L_overlay_start_2:
0xb1: {  	(tag) =	ssettag $0x2  }
0xb2: {  	s0 =	rddreg [dreg:$0x0];
	s2 =	stileid.u32  }
0xb3: {  	s1 =	rddreg [dreg:$0x1];
	p0 =	sne.s32 s2, $0x0  }
0xb4: {  	s3 =	rddreg [dreg:$0x2];
	[bflag:$0x3] =	sbarrier.arrive $0xFFFF;
	s2 =	simm.s32 @!p0 $0x1C02  }
0xb5: {  	[timem:s3], [sflag:s2] =	dma.local @!p0 [hbm:s0], s1  }
0xb6: {  	s0 =	simm.s32 @!p0 $0x2  }
0xb7: {  	_ =	swait.ge @!p0 [sflag:s0], s1  }
0xb8: {  	s1 =	ssub.s32 @!p0 $0x0, s1;
	[sflag:s0] =	ssyncset.done @!p0 $0x0  }
0xb9: {  	[sflag:s0] =	ssyncadd.s32 @!p0 s1  }
0xba: {  	[bflag:$0x3] =	sbarrier.arrive $0xFFFF  }
0xbb: {  	_ =	shalt  }

// kernel: kernel.14.cloned.1.call-start
scs
__scs_entry_jumppad:
0x0: {  	(pc) =	sbr.rel $0x88, $3  }
0x1: {  	(tag) =	ssettag $0x0;
	lr =	simm.s32 $0x1  }
0x2: {  	[smem:$0x3F9A] =	sst lr;
	_ =	strace $0xD0000000  }
0x3: {  	_ = 	snop  }
0x4: {  	_ = 	snop  }
0x5: {  	_ = 	snop  }
0x6: {  	_ = 	snop  }
0x7: {  	_ = 	snop  }
__scs_overlays_trampoline_lowered:
0x8: {  	[smem:$0x3FA9] =	sst s0  }
0x9: {  	[smem:$0x3FAA] =	sst s1  }
0xa: {  	[smem:$0x3FAB] =	sst s2  }
0xb: {  	[smem:$0x3FAC] =	sst s3  }
0xc: {  	[smem:$0x3FAD] =	sst s4  }
0xd: {  	[smem:$0x3FAE] =	sst s5  }
0xe: {  	[smem:$0x3FAF] =	sst s6  }
0xf: {  	[smem:$0x3FB0] =	sst s7  }
0x10: {  	[smem:$0x3FB1] =	sst s8  }
0x11: {  	[smem:$0x3FB2] =	sst s9;
	s0 =	simm.s32 @!p0 $0x0  }
0x12: {  	s1 =	sld [smem:$0x3F98];
	s0 =	simm.s32 @p0 $0x1  }
0x13: {  	[smem:$0x3FB3] =	sst s0;
	s0 =	simm.s32 @!p1 $0x0  }
0x14: {  	s2 =	sld [smem:$0x3F97];
	s0 =	simm.s32 @p1 $0x1  }
0x15: {  	[smem:$0x3FB4] =	sst s0;
	s0 =	simm.s32 @!p2 $0x0  }
0x16: {  	s3 =	sld [smem:$0x3FDB];
	s0 =	simm.s32 @p2 $0x1  }
0x17: {  	s4 =	simm.s32 $0x1BF5;
	[smem:$0x3FB6] =	sst s0  }
0x18: {  	s0 =	sld [smem:$0x3F99];
	_ =	swait.ge [sflag:s4], $0x0  }
0x19: {  	s7 =	sld [smem:$0x3F9A]  }
0x1a: {  	s8 =	sadd.s32 $0xFFFFE003, lr  }
0x1b: {  	s9 =	sadd.s32 $0xFFFFFEF7, lr;
	s5 =	simm.s32 $0xFFFFFFFF;
	p2 =	slt.u32 s8, $0xFFFFF086  }
0x1c: {  	p1 =	slt.u32 s9, $0xF7A;
	s5 =	simm.s32 @!p2 $0x0  }
0x1d: {  	s5 =	simm.s32 @p1 $0x1;
	p0 =	seq.s32 s7, s2  }
0x1e: {  	s7 =	smul.u32 @!p0 $0xF7A, s2;
	p2 =	seq.s32 @!p0 s5, $0x0  }
0x1f: {  	s9 =	smul.u32 $0xF7A, s1;
	s8 =	simm.s32 @!p0 $0x1BF5;
	p2 =	por !p2, p0  }
0x20: {  	[sflag:s8] =	ssyncset.s32 @!p0 $0xFFFFF086;
	s6 =	sadd.s32 @!p0 s3, s7;
	s7 =	simm.s32 @!p0 $0x108  }
0x21: {  	s3 =	sadd.s32 s3, s9;
	s6 =	sadd.s32 @!p0 $0x88, s6;
	s7 =	simm.s32 @p2 $0x1082  }
0x22: {  	[simem:s7], [sflag:s8] =	dma.local @!p0 [hbm:s6], $0xF7A  }
0x23: {  	s9 =	sor.u32 $0xD0000000, s2;
	s6 =	simm.s32 $0x108;
	_ =	swait.ge @!p0 [sflag:s8], $0x0  }
0x24: {  	s3 =	sadd.s32 $0x88, s3;
	s6 =	simm.s32 @!p1 $0x1082;
	[sflag:s4] =	ssyncset.s32 $0xFFFFF086  }
0x25: {  	[simem:s6], [sflag:s4] =	dma.local [hbm:s3], $0xF7A  }
0x26: {  	[smem:$0x3F9A] =	sst s1;
	(tag) =	ssettag s2;
	_ =	strace s9  }
0x27: {  	s1 =	sld [smem:$0x3FAA]  }
0x28: {  	s2 =	sld [smem:$0x3FAB]  }
0x29: {  	s4 =	sld [smem:$0x3FAD]  }
0x2a: {  	p0 =	seq.s32 s5, $0x0;
	s5 =	sld [smem:$0x3FAE]  }
0x2b: {  	s6 =	sld [smem:$0x3FAF]  }
0x2c: {  	s7 =	sld [smem:$0x3FB0]  }
0x2d: {  	s3 =	simm.s32 $0x108;
	s8 =	sld [smem:$0x3FB1]  }
0x2e: {  	s3 =	simm.s32 @!p0 $0x1082;
	s9 =	sld [smem:$0x3FB2]  }
0x2f: {  	lr =	sadd.s32 s0, s3;
	s0 =	sld [smem:$0x3FA9]  }
0x30: {  	s3 =	sld [smem:$0x3FAC]  }
0x31: {  	[smem:$0x3FB5] =	sst s10  }
0x32: {  	s10 =	sld [smem:$0x3FB3];
	_ =	sdelay $0x3  }
0x33: {  	p0 =	seq.s32 s10, $0x1;
	s10 =	sld [smem:$0x3FB5];
	_ =	sdelay $0x3  }
0x34: {  	[smem:$0x3FB5] =	sst s10  }
0x35: {  	s10 =	sld [smem:$0x3FB4];
	_ =	sdelay $0x3  }
0x36: {  	p1 =	seq.s32 s10, $0x1;
	s10 =	sld [smem:$0x3FB5];
	_ =	sdelay $0x3  }
0x37: {  	[smem:$0x3FB5] =	sst s10  }
0x38: {  	s10 =	sld [smem:$0x3FB6]  }
0x39: {  	_ = 	snop;
	(pc) =	sbr.ind lr, $3  }
0x3a: {  	_ = 	snop  }
0x3b: {  	_ = 	snop  }
0x3c: {  	p2 =	seq.s32 s10, $0x1;
	s10 =	sld [smem:$0x3FB5]  }
0x3d: {  	_ =	shalt  }
0x3e: {  	_ =	shalt  }
0x3f: {  	_ =	shalt  }
0x40: {  	_ =	shalt  }
0x41: {  	_ =	shalt  }
0x42: {  	_ =	shalt  }
0x43: {  	_ =	shalt  }
0x44: {  	_ =	shalt  }
0x45: {  	_ =	shalt  }
0x46: {  	_ =	shalt  }
0x47: {  	_ =	shalt  }
0x48: {  	_ =	shalt  }
0x49: {  	_ =	shalt  }
0x4a: {  	_ =	shalt  }
0x4b: {  	_ =	shalt  }
0x4c: {  	_ =	shalt  }
0x4d: {  	_ =	shalt  }
0x4e: {  	_ =	shalt  }
0x4f: {  	_ =	shalt  }
0x50: {  	_ =	shalt  }
0x51: {  	_ =	shalt  }
0x52: {  	_ =	shalt  }
0x53: {  	_ =	shalt  }
0x54: {  	_ =	shalt  }
0x55: {  	_ =	shalt  }
0x56: {  	_ =	shalt  }
0x57: {  	_ =	shalt  }
0x58: {  	_ =	shalt  }
0x59: {  	_ =	shalt  }
0x5a: {  	_ =	shalt  }
0x5b: {  	_ =	shalt  }
0x5c: {  	_ =	shalt  }
0x5d: {  	_ =	shalt  }
0x5e: {  	_ =	shalt  }
0x5f: {  	_ =	shalt  }
0x60: {  	_ =	shalt  }
0x61: {  	_ =	shalt  }
0x62: {  	_ =	shalt  }
0x63: {  	_ =	shalt  }
0x64: {  	_ =	shalt  }
0x65: {  	_ =	shalt  }
0x66: {  	_ =	shalt  }
0x67: {  	_ =	shalt  }
0x68: {  	_ =	shalt  }
0x69: {  	_ =	shalt  }
0x6a: {  	_ =	shalt  }
0x6b: {  	_ =	shalt  }
0x6c: {  	_ =	shalt  }
0x6d: {  	_ =	shalt  }
0x6e: {  	_ =	shalt  }
0x6f: {  	_ =	shalt  }
0x70: {  	_ =	shalt  }
0x71: {  	_ =	shalt  }
0x72: {  	_ =	shalt  }
0x73: {  	_ =	shalt  }
0x74: {  	_ =	shalt  }
0x75: {  	_ =	shalt  }
0x76: {  	_ =	shalt  }
0x77: {  	_ =	shalt  }
0x78: {  	_ =	shalt  }
0x79: {  	_ =	shalt  }
0x7a: {  	_ =	shalt  }
0x7b: {  	_ =	shalt  }
0x7c: {  	_ =	shalt  }
0x7d: {  	_ =	shalt  }
0x7e: {  	_ =	shalt  }
0x7f: {  	_ =	shalt  }
0x80: {  	_ =	shalt  }
0x81: {  	_ =	shalt  }
0x82: {  	_ =	shalt  }
0x83: {  	_ =	shalt  }
0x84: {  	_ =	shalt  }
0x85: {  	_ =	shalt  }
0x86: {  	_ =	shalt  }
0x87: {  	_ =	shalt  }
.Lfunc_end0:
.L_simem_size_0:
called_computation.2_lowered:
.L_overlay_start_0:
0x88: {  	s2 =	sld [smem:$0x3FD9]  }
0x89: {  	s3 =	sld [smem:$0x3FFE];
	_ =	sdelay $0x1  }
0x8a: {  	s1 =	srdreg.scid  }
0x8b: {  	s0 =	sand.u32 $0x1, s1  }
0x8c: {  	s17 =	sshll.u32 s0, $0xA;
	s2 =	sadd.s32 s3, s2  }
0x8d: {  	s2 =	sadd.s32 s2, s17  }
0x8e: {  	[smem:$0x3FC1] =	sst s2  }
0x8f: {  	_ = 	snop  }
0x90: {  	s2 =	sld [smem:$0x3FD0];
	(tm) =	ssettm $0x1  }
0x91: {  	s18 =	sld [smem:$0x3FFB];
	_ =	sdelay $0x3  }
0x92: {  	_ =	strace s18  }
0x93: {  	s3 =	sld [smem:$0x3FFC];
	_ =	sdelay $0x3  }
0x94: {  	_ =	strace s3  }
0x95: {  	s3 =	sld [smem:$0x3FFD];
	_ =	sdelay $0x3  }
0x96: {  	_ =	strace s3  }
0x97: {  	_ =	strace $0x8FFFFFFF  }
0x98: {  	s19 =	sld [smem:$0x3FDB];
	_ =	sdelay $0x1  }
0x99: {  	s4 =	simm.s32 $_scs_section_size  }
0x9a: {  	s5 =	simm.s32 $_size__tile_overlayer_lowered;
	s6 =	simm.s32 $_tile_overlayer_lowered  }
0x9b: {  	s22 =	simm.s32 $0x1BFF;
	s21 =	sshll.u32 s6, $0x1;
	s3 =	sadd.s32 s4, s19  }
0x9c: {  	s7 =	simm.s32 $0x0;
	s20 =	sshll.u32 s5, $0x1;
	s5 =	sadd.s32 s21, s3  }
0x9d: {  	[timem:s7], [sflag:s22] =	dma.local [hbm:s5], s20  }
0x9e: {  	_ =	swait.ge [sflag:s22], s20  }
0x9f: {  	s4 =	ssub.s32 $0x0, s20;
	[sflag:s22] =	ssyncset.done $0x0  }
0xa0: {  	[sflag:s22] =	ssyncadd.s32 s4;
	_ =	sdelay $0x1  }
0xa1: {  	s23 =	simm.s32 $0x1B8B  }
0xa2: {  	_ =	swait.ge [sflag:s23], $0x1  }
0xa3: {  	[sflag:s23] =	ssyncset.done $0x0  }
0xa4: {  	s25 =	simm.s32 $0x1B8E;
	s24 =	sld [smem:$0x3FFE];
	[sflag:s23] =	ssyncadd.s32 $0xFFFFFFFF  }
0xa5: {  	s26 =	simm.s32 $execute0_lowered;
	[smem:$0x3FD2] =	sst s25  }
0xa6: {  	s5 =	sshll.u32 s26, $0x1;
	_ =	strace $0x8000004C;
	[dreg:$0x1] =	wrdreg $0xFFFFFFFF  }
0xa7: {  	s28 =	simm.s32 $_size_execute0_lowered;
	s3 =	sadd.s32 s3, s5;
	[dreg:$0x0] =	wrdreg $0x0  }
0xa8: {  	s5 =	sshll.u32 s28, $0x1;
	[dreg:$0x2] =	wrdreg s3  }
0xa9: {  	[dreg:$0x3] =	wrdreg s5  }
0xaa: {  	[dreg:$0x4] =	wrdreg $0xC0  }
0xab: {  	_ =	task [dreg:s7], $0x5FFFF  }
0xac: {  	[dreg:$0x1] =	wrdreg $0xFFFFFFFF  }
0xad: {  	[dreg:$0x0] =	wrdreg $0x60  }
0xae: {  	[dreg:$0x2] =	wrdreg s24  }
0xaf: {  	[dreg:$0x3] =	wrdreg s2  }
0xb0: {  	[dreg:$0x4] =	wrdreg $0x8A000  }
0xb1: {  	[dreg:$0x5] =	wrdreg $0x9  }
0xb2: {  	_ =	task.clear_ibuf [dreg:s7], $0x6FFFF;
	_ =	strace $0x9000004C  }
0xb3: {  	s29 =	simm.s32 $0x9;
	_ =	strace $0x8000004E  }
0xb4: {  	_ =	swait.ge [sflag:s29], $0x1  }
0xb5: {  	[sflag:s29] =	ssyncadd.s32 $0xFFFFFFFF  }
0xb6: {  	_ =	strace $0x9000004E  }
0xb7: {  	_ =	sfence  }
0xb8: {  	s30 =	sld [smem:$0x0];
	_ =	sdelay $0x2  }
0xb9: {  	s31 =	sshll.u32 s1, $0xD;
	s1 =	sshrl.u32 s1, $0x2  }
0xba: {  	s3 =	sand.u32 $0x4000, s31;
	s1 =	sadd.s32 s1, s30  }
0xbb: {  	s0 =	sor.u32 s3, s0;
	s1 =	sshll.u32 s1, $0x11  }
0xbc: {  	s0 =	sor.u32 s1, s0  }
0xbd: {  	s0 =	sadd.s32 $0x8F2B, s0  }
0xbe: {  	[sflag:s0] =	ssyncadd.remote.s32 $0x1  }
0xbf: {  	_ =	sfence.sel $0xFFFF  }
0xc0: {  	[dreg:$0x0] =	wrdreg $0xFFFFFFFF;
	(pc) =	sbr.abs _section_cstart, $3  }
0xc1: {  	[dreg:$0x1] =	wrdreg $0xFFFFFFFF  }
0xc2: {  	_ =	task.clear_ibuf [dreg:s7], $0x2FFFF;
	_ =	strace $0x9FFFFFFF  }
0xc3: {  	(tm) =	ssettm $0x7FFFFFFF  }
tec
execute0_lowered:
.L_overlay_start_1:
0x0: {  	(tag) =	ssettag $0x1  }
0x1: {  	s0 =	rddreg [dreg:$0x0]  }
0x2: {  	s1 =	rddreg [dreg:$0x1]  }
0x3: {  	s2 =	rddreg [dreg:$0x2];
	s3 =	srdreg.scid  }
0x4: {  	s4 =	simm.s32 $0x0;
	s15 =	stileid.u32;
	s28 =	simm.s32 $0x1  }
0x5: {  	s29 =	simm.s32 $0x100;
	s30 =	simm.s32 $0x180;
	s31 =	simm.s32 $0x10  }
0x6: {  	s3 =	sand.u32 $0x1, s3;
	[smem:$0x7FF] =	sst s4;
	s6 =	sadd.s32 $0x1600, s0  }
0x7: {  	s20 =	sadd.s32 $0xB400, s0;
	s0 =	sadd.s32 $0x15200, s0;
	s14 =	sshll.u32 s15, $0xE  }
0x8: {  	s21 =	sor.u32 $0x40, s15;
	s23 =	smul.u32 $0x2710, s15;
	s5 =	sshll.u32 s3, $0x4  }
0x9: {  	_ =	strace $0x8000004D;
	s7 =	ssub.s32 $0x2, s3;
	s16 =	smul.u32 $0x138800, s3  }
0xa: {  	s17 =	sor.u32 $0x40000, s14;
	s18 =	sor.u32 $0x80000, s14;
	s19 =	sor.u32 $0xC0000, s14  }
0xb: {  	s22 =	sshll.u32 s21, $0xE;
	s3 =	smul.u32 $0x27100, s3;
	p0 =	slt.u32 s21, $0x4E  }
0xc: {  	s5 =	sor.u32 s15, s5;
	s8 =	sshrl.u32 s7, $0x1;
	s11 =	sadd.s32 s17, s2  }
0xd: {  	p1 =	sne.s32 @!p0 s15, $0xE;
	s5 =	smul.u32 $0x2710, s5;
	s7 =	ssub.s32 s7, s8  }
0xe: {  	s9 =	sshrl.u32 s16, $0x3;
	s17 =	sadd.s32 s16, s17;
	s3 =	sadd.s32 s23, s3  }
0xf: {  	s23 =	simm.s32 $0x3;
	p1 =	por p1, p0;
	s13 =	sadd.s32 s0, s9  }
0x10: {  	s7 =	smax.u32 s7, $0x1;
	s26 =	sshrl.u32 s3, $0x3;
	s12 =	sshrl.u32 s5, $0x3  }
0x11: {  	s5 =	sadd.s32 $0x138000, s2;
	[dreg:$0x7] =	wrdreg s7;
	s7 =	sadd.s32 s16, s14  }
0x12: {  	s21 =	sadd.s32 s26, s6;
	s8 =	sadd.s32 $0x4E0, s12;
	s12 =	sadd.s32 s18, s2  }
0x13: {  	s7 =	sshrl.u32 s7, $0x3;
	s18 =	sadd.s32 s16, s18;
	s10 =	sadd.s32 s6, s8  }
0x14: {  	s8 =	sadd.s32 s20, s8;
	s7 =	sadd.s32 s0, s7;
	s20 =	sadd.s32 s26, s20  }
0x15: {  	s26 =	simm.s32 $0x200;
	s6 =	simm.s32 $0x0;
	[dreg:$0x4] =	wrdreg s10  }
0x16: {  	[dreg:$0x5] =	wrdreg s8;
	s8 =	sadd.s32 $0x27000, s13;
	s10 =	sadd.s32 s14, s2  }
0x17: {  	s13 =	sadd.s32 s19, s2;
	s14 =	sadd.s32 s22, s2;
	[dreg:$0x8] =	wrdreg s7  }
0x18: {  	s7 =	sshrl.u32 s17, $0x3;
	s17 =	sshrl.u32 s18, $0x3;
	s19 =	sadd.s32 s16, s19  }
0x19: {  	s22 =	sadd.s32 s16, s22;
	[dreg:$0x6] =	wrdreg s8;
	s16 =	sadd.s32 s0, s7  }
0x1a: {  	s17 =	sadd.s32 s0, s17;
	s24 =	sshrl.u32 s19, $0x3;
	s25 =	sshrl.u32 s22, $0x3  }
0x1b: {  	s22 =	simm.s32 $0x4A00;
	s18 =	sadd.s32 s0, s24;
	s19 =	sadd.s32 s0, s25  }
0x1c: {  	v0 =	vimm.f32 $0.0e+00;
	s24 =	simm.s32 $0x2;
	s25 =	simm.s32 $0x80;
	s0 =	simm.s32 $0x4200  }
.LBB2_1:
0x1d: {  	s3 =	simm.s32 $0x0;
	s7 =	simm.s32 $0x200  }
.LBB2_2:
0x1e: {  	p2 =	sne.s32 s7, $0xFE00;
	[tilespmem:s3+$0x4A70] =	vst v0  }
0x1f: {  	[tilespmem:s3+$0x4A00] =	vst v0  }
0x20: {  	[tilespmem:s3+$0x4A10] =	vst v0  }
.Ltmp0:
0x21: {  	[tilespmem:s3+$0x4A20] =	vst v0;
	(pc) =	sbr.rel @p2 .LBB2_2-.Ltmp0, $4  }
0x22: {  	[tilespmem:s3+$0x4A30] =	vst v0  }
0x23: {  	[tilespmem:s3+$0x4A40] =	vst v0  }
0x24: {  	[tilespmem:s3+$0x4A50] =	vst v0  }
0x25: {  	[tilespmem:s3+$0x4A60] =	vst v0;
	s3 =	sshra.s32 s7, $0x2;
	s7 =	sadd.s32 $0x200, s7  }
0x26: {  	[tilespmem:s3+$0x4A70] =	vst v0  }
0x27: {  	[tilespmem:s3+$0x4A00] =	vst v0  }
0x28: {  	[tilespmem:s3+$0x4A10] =	vst v0  }
0x29: {  	[tilespmem:s3+$0x4A20] =	vst v0  }
0x2a: {  	[tilespmem:s3+$0x4A30] =	vst v0  }
0x2b: {  	[tilespmem:s3+$0x4A40] =	vst v0  }
0x2c: {  	[tilespmem:s3+$0x4A50] =	vst v0  }
0x2d: {  	[tilespmem:s3+$0x4A60] =	vst v0  }
0x2e: {  	[spmem:s10] =	stream.linear.scatter [tilespmem:s22], [sflag:$0x3], $0x4000, $0x38;
	[tilespmem:$0x1C280] =	vst v63  }
0x2f: {  	_ =	swait.ge [sflag:s23], $0x4000  }
0x30: {  	[sflag:s23] =	ssyncset.done $0x0  }
0x31: {  	[sflag:s23] =	ssyncadd.s32 $0xFFFFC000  }
0x32: {  	[spmem:s11] =	stream.linear.scatter [tilespmem:s22], [sflag:$0x3], $0x4000, $0x38;
	[tilespmem:$0x1C280] =	vst v63  }
0x33: {  	_ =	swait.ge [sflag:s23], $0x4000  }
0x34: {  	[sflag:s23] =	ssyncset.done $0x0  }
0x35: {  	[sflag:s23] =	ssyncadd.s32 $0xFFFFC000  }
0x36: {  	[spmem:s12] =	stream.linear.scatter [tilespmem:s22], [sflag:$0x3], $0x4000, $0x38;
	[tilespmem:$0x1C280] =	vst v63  }
0x37: {  	_ =	swait.ge [sflag:s23], $0x4000  }
0x38: {  	[sflag:s23] =	ssyncset.done $0x0  }
0x39: {  	[sflag:s23] =	ssyncadd.s32 $0xFFFFC000  }
0x3a: {  	[spmem:s13] =	stream.linear.scatter [tilespmem:s22], [sflag:$0x3], $0x4000, $0x38;
	[tilespmem:$0x1C280] =	vst v63  }
0x3b: {  	_ =	swait.ge [sflag:s23], $0x4000  }
0x3c: {  	[sflag:s23] =	ssyncset.done $0x0  }
0x3d: {  	s3 =	simm.s32 @p0 $0x4A00;
	[sflag:s23] =	ssyncadd.s32 $0xFFFFC000  }
0x3e: {  	[spmem:s14] =	stream.linear.scatter @p0 [tilespmem:s3], [sflag:$0x3], $0x4000, $0x38;
	[tilespmem:$0x1C280] =	vst v63  }
0x3f: {  	s3 =	simm.s32 @p0 $0x3  }
0x40: {  	_ =	swait.ge @p0 [sflag:s3], $0x4000  }
0x41: {  	[sflag:s3] =	ssyncset.done @p0 $0x0  }
0x42: {  	[sflag:s3] =	ssyncadd.s32 @p0 $0xFFFFC000;
	s3 =	simm.s32 @!p1 $0x4A00  }
0x43: {  	[spmem:s5] =	stream.linear.scatter @!p1 [tilespmem:s3], [sflag:$0x2], $0x800, $0x38;
	[tilespmem:$0x1C280] =	vst v63  }
0x44: {  	s3 =	simm.s32 @!p1 $0x2  }
0x45: {  	_ =	swait.ge @!p1 [sflag:s3], $0x800  }
0x46: {  	[sflag:s3] =	ssyncset.done @!p1 $0x0  }
0x47: {  	[sflag:s3] =	ssyncadd.s32 @!p1 $0xFFFFF800  }
0x48: {  	s9 =	sadd.s32 $0x0, s21;
	[bflag:$0x0] =	sbarrier.arrive $0xFFFF  }
0x49: {  	[tilespmem:s4], [sflag:$0x2] =	stream.linear.gather [hbm4b:s9+s4], $0x80, $0x38;
	[tilespmem:$0x1C280] =	vst v63  }
0x4a: {  	_ =	swait.ge [sflag:s24], $0x80  }
0x4b: {  	[sflag:s24] =	ssyncset.done $0x0  }
0x4c: {  	s15 =	sadd.s32 $0x0, s20;
	[sflag:s24] =	ssyncadd.s32 $0xFFFFFF80  }
0x4d: {  	[tilespmem:s25], [sflag:$0x2] =	stream.linear.gather [hbm4b:s15+s4], $0x80, $0x38;
	[tilespmem:$0x1C280] =	vst v63  }
0x4e: {  	_ =	swait.ge [sflag:s24], $0x80  }
0x4f: {  	[sflag:s24] =	ssyncset.done $0x0  }
0x50: {  	[sflag:s24] =	ssyncadd.s32 $0xFFFFFF80  }
0x51: {  	[tilespmem:s26], [sflag:$0x1] =	stream.indirect.gather [hbm4b:s1+s25], $0x80, s4, s25, $0xb8;
	[tilespmem:$0x1C280] =	vst v63  }
0x52: {  	_ =	swait.ge [sflag:s28], $0x4000  }
0x53: {  	[sflag:s28] =	ssyncset.done $0x0  }
0x54: {  	[sflag:s28] =	ssyncadd.s32 $0xFFFFC000  }
0x55: {  	[spmem:s2] =	stream.indirect.scatter.add.f32 [tilespmem:s26], [sflag:$0x2], $0x80, s25, s25, $0xb8;
	[tilespmem:$0x1C280] =	vst v63  }
0x56: {  	_ =	swait.ge [sflag:s24], $0x4000  }
0x57: {  	s7 =	simm.s32 $0x20;
	s3 =	simm.s32 $0x10;
	[sflag:s24] =	ssyncset.done $0x0  }
.LBB2_4:
0x58: {  	s8 =	sadd.s32 s3, s21  }
0x59: {  	[sflag:s24] =	ssyncadd.s32 $0xFFFFC000;
	s9 =	smov.u32 s7;
	s15 =	sadd.s32 $0x10, s7  }
0x5a: {  	[tilespmem:s4], [sflag:$0x2] =	stream.linear.gather [hbm4b:s8+s4], $0x80, $0x38;
	[tilespmem:$0x1C280] =	vst v63  }
0x5b: {  	p2 =	sne.s32 s7, $0x4D0;
	_ =	swait.ge [sflag:s24], $0x80  }
0x5c: {  	[sflag:s24] =	ssyncset.done $0x0  }
0x5d: {  	s7 =	sadd.s32 s3, s20;
	s3 =	smov.u32 s9;
	[sflag:s24] =	ssyncadd.s32 $0xFFFFFF80  }
0x5e: {  	[tilespmem:s25], [sflag:$0x2] =	stream.linear.gather [hbm4b:s7+s4], $0x80, $0x38;
	[tilespmem:$0x1C280] =	vst v63  }
0x5f: {  	_ =	swait.ge [sflag:s24], $0x80  }
0x60: {  	[sflag:s24] =	ssyncset.done $0x0  }
0x61: {  	[sflag:s24] =	ssyncadd.s32 $0xFFFFFF80  }
0x62: {  	[tilespmem:s26], [sflag:$0x1] =	stream.indirect.gather [hbm4b:s1+s25], $0x80, s4, s25, $0xb8;
	[tilespmem:$0x1C280] =	vst v63  }
0x63: {  	_ =	swait.ge [sflag:s28], $0x4000  }
.Ltmp1:
0x64: {  	[sflag:s28] =	ssyncset.done $0x0;
	(pc) =	sbr.rel @p2 .LBB2_4-.Ltmp1, $4  }
0x65: {  	[sflag:s28] =	ssyncadd.s32 $0xFFFFC000  }
0x66: {  	[spmem:s2] =	stream.indirect.scatter.add.f32 [tilespmem:s26], [sflag:$0x2], $0x80, s25, s25, $0xb8;
	[tilespmem:$0x1C280] =	vst v63  }
0x67: {  	_ =	swait.ge [sflag:s24], $0x4000  }
0x68: {  	s7 =	smov.u32 s15;
	[sflag:s24] =	ssyncset.done $0x0  }
0x69: {  	s7 =	sadd.s32 s3, s21;
	[sflag:s24] =	ssyncadd.s32 $0xFFFFC000  }
0x6a: {  	[tilespmem:s4], [sflag:$0x2] =	stream.linear.gather [hbm4b:s7+s4], $0x80, $0x38;
	[tilespmem:$0x1C280] =	vst v63  }
0x6b: {  	_ =	swait.ge [sflag:s24], $0x80  }
0x6c: {  	[sflag:s24] =	ssyncset.done $0x0  }
0x6d: {  	s9 =	sadd.s32 s3, s20;
	[sflag:s24] =	ssyncadd.s32 $0xFFFFFF80  }
0x6e: {  	[tilespmem:s25], [sflag:$0x2] =	stream.linear.gather [hbm4b:s9+s4], $0x80, $0x38;
	[tilespmem:$0x1C280] =	vst v63  }
0x6f: {  	_ =	swait.ge [sflag:s24], $0x80  }
0x70: {  	[sflag:s24] =	ssyncset.done $0x0  }
0x71: {  	[sflag:s24] =	ssyncadd.s32 $0xFFFFFF80  }
0x72: {  	[tilespmem:s26], [sflag:$0x1] =	stream.indirect.gather [hbm4b:s1+s25], $0x80, s4, s25, $0xb8;
	[tilespmem:$0x1C280] =	vst v63  }
0x73: {  	_ =	swait.ge [sflag:s28], $0x4000  }
0x74: {  	[sflag:s28] =	ssyncset.done $0x0  }
0x75: {  	[sflag:s28] =	ssyncadd.s32 $0xFFFFC000  }
0x76: {  	[spmem:s2] =	stream.indirect.scatter.add.f32 [tilespmem:s26], [sflag:$0x2], $0x80, s25, s25, $0xb8;
	[tilespmem:$0x1C280] =	vst v63  }
0x77: {  	_ =	swait.ge [sflag:s24], $0x4000  }
0x78: {  	[sflag:s24] =	ssyncset.done $0x0  }
0x79: {  	s15 =	rddreg [dreg:$0x4];
	[sflag:s24] =	ssyncadd.s32 $0xFFFFC000  }
0x7a: {  	[tilespmem:s29], [sflag:$0x2] =	stream.linear.gather [hbm4b:s15+s4], $0x10, $0x38;
	[tilespmem:$0x1C280] =	vst v63  }
0x7b: {  	_ =	swait.ge [sflag:s24], $0x10  }
0x7c: {  	[sflag:s24] =	ssyncset.done $0x0  }
0x7d: {  	s7 =	rddreg [dreg:$0x5];
	[sflag:s24] =	ssyncadd.s32 $0xFFFFFFF0  }
0x7e: {  	[tilespmem:s30], [sflag:$0x2] =	stream.linear.gather [hbm4b:s7+s4], $0x10, $0x38;
	[tilespmem:$0x1C280] =	vst v63  }
0x7f: {  	_ =	swait.ge [sflag:s24], $0x10  }
0x80: {  	[sflag:s24] =	ssyncset.done $0x0  }
0x81: {  	[sflag:s24] =	ssyncadd.s32 $0xFFFFFFF0  }
0x82: {  	[tilespmem:s0], [sflag:$0x1] =	stream.indirect.gather [hbm4b:s1+s31], $0x80, s29, s31, $0xb8;
	[tilespmem:$0x1C280] =	vst v63  }
0x83: {  	_ =	swait.ge [sflag:s28], $0x800  }
0x84: {  	[sflag:s28] =	ssyncset.done $0x0  }
0x85: {  	[sflag:s28] =	ssyncadd.s32 $0xFFFFF800  }
0x86: {  	[spmem:s2] =	stream.indirect.scatter.add.f32 [tilespmem:s0], [sflag:$0x2], $0x80, s30, s31, $0xb8;
	[tilespmem:$0x1C280] =	vst v63  }
0x87: {  	_ =	swait.ge [sflag:s24], $0x800  }
0x88: {  	[sflag:s24] =	ssyncset.done $0x0  }
0x89: {  	s9 =	stileid.u32;
	[sflag:s24] =	ssyncadd.s32 $0xFFFFF800  }
0x8a: {  	s8 =	sshll.u32 s9, $0x6;
	[bflag:$0x0] =	sbarrier.arrive $0xFFFF  }
0x8b: {  	s3 =	sor.u32 $0x1C03, s8;
	s15 =	sshrl.u32 s10, $0x3;
	s8 =	rddreg [dreg:$0x8]  }
0x8c: {  	[hbm:s8], [sflag:s3] =	dma.local [spmem:s15], $0x800  }
0x8d: {  	_ =	swait.ge [sflag:s23], $0x800  }
0x8e: {  	[sflag:s23] =	ssyncset.done $0x0  }
0x8f: {  	s8 =	sshrl.u32 s11, $0x3;
	[sflag:s23] =	ssyncadd.s32 $0xFFFFF800  }
0x90: {  	[hbm:s16], [sflag:s3] =	dma.local [spmem:s8], $0x800  }
0x91: {  	_ =	swait.ge [sflag:s23], $0x800  }
0x92: {  	[sflag:s23] =	ssyncset.done $0x0  }
0x93: {  	s15 =	sshrl.u32 s12, $0x3;
	[sflag:s23] =	ssyncadd.s32 $0xFFFFF800  }
0x94: {  	[hbm:s17], [sflag:s3] =	dma.local [spmem:s15], $0x800  }
0x95: {  	_ =	swait.ge [sflag:s23], $0x800  }
0x96: {  	[sflag:s23] =	ssyncset.done $0x0  }
0x97: {  	s8 =	sshrl.u32 s13, $0x3;
	[sflag:s23] =	ssyncadd.s32 $0xFFFFF800  }
0x98: {  	[hbm:s18], [sflag:s3] =	dma.local [spmem:s8], $0x800  }
0x99: {  	_ =	swait.ge [sflag:s23], $0x800  }
0x9a: {  	[sflag:s23] =	ssyncset.done $0x0  }
0x9b: {  	s7 =	sshrl.u32 @p0 s14, $0x3;
	[sflag:s23] =	ssyncadd.s32 $0xFFFFF800  }
0x9c: {  	[hbm:s19], [sflag:s3] =	dma.local @p0 [spmem:s7], $0x800  }
0x9d: {  	s3 =	simm.s32 @p0 $0x3  }
0x9e: {  	_ =	swait.ge @p0 [sflag:s3], $0x800  }
0x9f: {  	s7 =	sshll.u32 @!p1 s9, $0x6;
	[sflag:s3] =	ssyncset.done @p0 $0x0;
	s9 =	rddreg [dreg:$0x6]  }
0xa0: {  	[sflag:s3] =	ssyncadd.s32 @p0 $0xFFFFF800;
	s3 =	sor.u32 @!p1 $0x1C02, s7;
	s7 =	sshrl.u32 @!p1 s5, $0x3  }
0xa1: {  	[hbm:s9], [sflag:s3] =	dma.local @!p1 [spmem:s7], $0x100  }
0xa2: {  	s3 =	simm.s32 @!p1 $0x2  }
0xa3: {  	_ =	swait.ge @!p1 [sflag:s3], $0x100  }
0xa4: {  	s6 =	sadd.s32 $0x1, s6;
	s15 =	rddreg [dreg:$0x7]  }
0xa5: {  	p2 =	sne.s32 s6, s15  }
.Ltmp2:
0xa6: {  	_ = 	snop;
	(pc) =	sbr.rel @p2 .LBB2_1-.Ltmp2, $3  }
0xa7: {  	_ =	sdelay $0x1  }
0xa8: {  	[sflag:s3] =	ssyncset.done @!p1 $0x0  }
0xa9: {  	s8 =	stileid.u32;
	[sflag:s3] =	ssyncadd.s32 @!p1 $0xFFFFFF00  }
0xaa: {  	_ =	sfence.sel $0x180000  }
0xab: {  	[bflag:$0x0] =	sbarrier.arrive $0xFFFF  }
0xac: {  	_ =	strace $0x9000004D  }
0xad: {  	[bflag:$0x2] =	sbarrier.arrive $0xFFFF  }
0xae: {  	p0 =	sne.s32 s8, $0x0;
	s0 =	rddreg [dreg:$0x3]  }
0xaf: {  	s0 =	sadd.s32 @!p0 $0x100000, s0  }
0xb0: {  	[sflag:s0] =	ssyncadd.tile.s32 @!p0 $0x1;
	_ =	shalt  }
.Lfunc_end2:
_tile_overlayer_lowered:
.L_overlay_start_2:
0xb1: {  	(tag) =	ssettag $0x2  }
0xb2: {  	s0 =	rddreg [dreg:$0x0];
	s2 =	stileid.u32  }
0xb3: {  	s1 =	rddreg [dreg:$0x1];
	p0 =	sne.s32 s2, $0x0  }
0xb4: {  	s3 =	rddreg [dreg:$0x2];
	[bflag:$0x3] =	sbarrier.arrive $0xFFFF;
	s2 =	simm.s32 @!p0 $0x1C02  }
0xb5: {  	[timem:s3], [sflag:s2] =	dma.local @!p0 [hbm:s0], s1  }
0xb6: {  	s0 =	simm.s32 @!p0 $0x2  }
0xb7: {  	_ =	swait.ge @!p0 [sflag:s0], s1  }
0xb8: {  	s1 =	ssub.s32 @!p0 $0x0, s1;
	[sflag:s0] =	ssyncset.done @!p0 $0x0  }
0xb9: {  	[sflag:s0] =	ssyncadd.s32 @!p0 s1  }
0xba: {  	[bflag:$0x3] =	sbarrier.arrive $0xFFFF  }
0xbb: {  	_ =	shalt  }

// kernel: kernel.8.cloned.1.call-start
scs
__scs_entry_jumppad:
0x0: {  	(pc) =	sbr.rel $0x88, $3  }
0x1: {  	(tag) =	ssettag $0x0;
	lr =	simm.s32 $0x1  }
0x2: {  	[smem:$0x3F9A] =	sst lr;
	_ =	strace $0xD0000000  }
0x3: {  	_ = 	snop  }
0x4: {  	_ = 	snop  }
0x5: {  	_ = 	snop  }
0x6: {  	_ = 	snop  }
0x7: {  	_ = 	snop  }
__scs_overlays_trampoline_lowered:
0x8: {  	[smem:$0x3FA9] =	sst s0  }
0x9: {  	[smem:$0x3FAA] =	sst s1  }
0xa: {  	[smem:$0x3FAB] =	sst s2  }
0xb: {  	[smem:$0x3FAC] =	sst s3  }
0xc: {  	[smem:$0x3FAD] =	sst s4  }
0xd: {  	[smem:$0x3FAE] =	sst s5  }
0xe: {  	[smem:$0x3FAF] =	sst s6  }
0xf: {  	[smem:$0x3FB0] =	sst s7  }
0x10: {  	[smem:$0x3FB1] =	sst s8  }
0x11: {  	[smem:$0x3FB2] =	sst s9;
	s0 =	simm.s32 @!p0 $0x0  }
0x12: {  	s1 =	sld [smem:$0x3F98];
	s0 =	simm.s32 @p0 $0x1  }
0x13: {  	[smem:$0x3FB3] =	sst s0;
	s0 =	simm.s32 @!p1 $0x0  }
0x14: {  	s2 =	sld [smem:$0x3F97];
	s0 =	simm.s32 @p1 $0x1  }
0x15: {  	[smem:$0x3FB4] =	sst s0;
	s0 =	simm.s32 @!p2 $0x0  }
0x16: {  	s3 =	sld [smem:$0x3FDB];
	s0 =	simm.s32 @p2 $0x1  }
0x17: {  	s4 =	simm.s32 $0x1BF5;
	[smem:$0x3FB6] =	sst s0  }
0x18: {  	s0 =	sld [smem:$0x3F99];
	_ =	swait.ge [sflag:s4], $0x0  }
0x19: {  	s7 =	sld [smem:$0x3F9A]  }
0x1a: {  	s8 =	sadd.s32 $0xFFFFE003, lr  }
0x1b: {  	s9 =	sadd.s32 $0xFFFFFEF7, lr;
	s5 =	simm.s32 $0xFFFFFFFF;
	p2 =	slt.u32 s8, $0xFFFFF086  }
0x1c: {  	p1 =	slt.u32 s9, $0xF7A;
	s5 =	simm.s32 @!p2 $0x0  }
0x1d: {  	s5 =	simm.s32 @p1 $0x1;
	p0 =	seq.s32 s7, s2  }
0x1e: {  	s7 =	smul.u32 @!p0 $0xF7A, s2;
	p2 =	seq.s32 @!p0 s5, $0x0  }
0x1f: {  	s9 =	smul.u32 $0xF7A, s1;
	s8 =	simm.s32 @!p0 $0x1BF5;
	p2 =	por !p2, p0  }
0x20: {  	[sflag:s8] =	ssyncset.s32 @!p0 $0xFFFFF086;
	s6 =	sadd.s32 @!p0 s3, s7;
	s7 =	simm.s32 @!p0 $0x108  }
0x21: {  	s3 =	sadd.s32 s3, s9;
	s6 =	sadd.s32 @!p0 $0x88, s6;
	s7 =	simm.s32 @p2 $0x1082  }
0x22: {  	[simem:s7], [sflag:s8] =	dma.local @!p0 [hbm:s6], $0xF7A  }
0x23: {  	s9 =	sor.u32 $0xD0000000, s2;
	s6 =	simm.s32 $0x108;
	_ =	swait.ge @!p0 [sflag:s8], $0x0  }
0x24: {  	s3 =	sadd.s32 $0x88, s3;
	s6 =	simm.s32 @!p1 $0x1082;
	[sflag:s4] =	ssyncset.s32 $0xFFFFF086  }
0x25: {  	[simem:s6], [sflag:s4] =	dma.local [hbm:s3], $0xF7A  }
0x26: {  	[smem:$0x3F9A] =	sst s1;
	(tag) =	ssettag s2;
	_ =	strace s9  }
0x27: {  	s1 =	sld [smem:$0x3FAA]  }
0x28: {  	s2 =	sld [smem:$0x3FAB]  }
0x29: {  	s4 =	sld [smem:$0x3FAD]  }
0x2a: {  	p0 =	seq.s32 s5, $0x0;
	s5 =	sld [smem:$0x3FAE]  }
0x2b: {  	s6 =	sld [smem:$0x3FAF]  }
0x2c: {  	s7 =	sld [smem:$0x3FB0]  }
0x2d: {  	s3 =	simm.s32 $0x108;
	s8 =	sld [smem:$0x3FB1]  }
0x2e: {  	s3 =	simm.s32 @!p0 $0x1082;
	s9 =	sld [smem:$0x3FB2]  }
0x2f: {  	lr =	sadd.s32 s0, s3;
	s0 =	sld [smem:$0x3FA9]  }
0x30: {  	s3 =	sld [smem:$0x3FAC]  }
0x31: {  	[smem:$0x3FB5] =	sst s10  }
0x32: {  	s10 =	sld [smem:$0x3FB3];
	_ =	sdelay $0x3  }
0x33: {  	p0 =	seq.s32 s10, $0x1;
	s10 =	sld [smem:$0x3FB5];
	_ =	sdelay $0x3  }
0x34: {  	[smem:$0x3FB5] =	sst s10  }
0x35: {  	s10 =	sld [smem:$0x3FB4];
	_ =	sdelay $0x3  }
0x36: {  	p1 =	seq.s32 s10, $0x1;
	s10 =	sld [smem:$0x3FB5];
	_ =	sdelay $0x3  }
0x37: {  	[smem:$0x3FB5] =	sst s10  }
0x38: {  	s10 =	sld [smem:$0x3FB6]  }
0x39: {  	_ = 	snop;
	(pc) =	sbr.ind lr, $3  }
0x3a: {  	_ = 	snop  }
0x3b: {  	_ = 	snop  }
0x3c: {  	p2 =	seq.s32 s10, $0x1;
	s10 =	sld [smem:$0x3FB5]  }
0x3d: {  	_ =	shalt  }
0x3e: {  	_ =	shalt  }
0x3f: {  	_ =	shalt  }
0x40: {  	_ =	shalt  }
0x41: {  	_ =	shalt  }
0x42: {  	_ =	shalt  }
0x43: {  	_ =	shalt  }
0x44: {  	_ =	shalt  }
0x45: {  	_ =	shalt  }
0x46: {  	_ =	shalt  }
0x47: {  	_ =	shalt  }
0x48: {  	_ =	shalt  }
0x49: {  	_ =	shalt  }
0x4a: {  	_ =	shalt  }
0x4b: {  	_ =	shalt  }
0x4c: {  	_ =	shalt  }
0x4d: {  	_ =	shalt  }
0x4e: {  	_ =	shalt  }
0x4f: {  	_ =	shalt  }
0x50: {  	_ =	shalt  }
0x51: {  	_ =	shalt  }
0x52: {  	_ =	shalt  }
0x53: {  	_ =	shalt  }
0x54: {  	_ =	shalt  }
0x55: {  	_ =	shalt  }
0x56: {  	_ =	shalt  }
0x57: {  	_ =	shalt  }
0x58: {  	_ =	shalt  }
0x59: {  	_ =	shalt  }
0x5a: {  	_ =	shalt  }
0x5b: {  	_ =	shalt  }
0x5c: {  	_ =	shalt  }
0x5d: {  	_ =	shalt  }
0x5e: {  	_ =	shalt  }
0x5f: {  	_ =	shalt  }
0x60: {  	_ =	shalt  }
0x61: {  	_ =	shalt  }
0x62: {  	_ =	shalt  }
0x63: {  	_ =	shalt  }
0x64: {  	_ =	shalt  }
0x65: {  	_ =	shalt  }
0x66: {  	_ =	shalt  }
0x67: {  	_ =	shalt  }
0x68: {  	_ =	shalt  }
0x69: {  	_ =	shalt  }
0x6a: {  	_ =	shalt  }
0x6b: {  	_ =	shalt  }
0x6c: {  	_ =	shalt  }
0x6d: {  	_ =	shalt  }
0x6e: {  	_ =	shalt  }
0x6f: {  	_ =	shalt  }
0x70: {  	_ =	shalt  }
0x71: {  	_ =	shalt  }
0x72: {  	_ =	shalt  }
0x73: {  	_ =	shalt  }
0x74: {  	_ =	shalt  }
0x75: {  	_ =	shalt  }
0x76: {  	_ =	shalt  }
0x77: {  	_ =	shalt  }
0x78: {  	_ =	shalt  }
0x79: {  	_ =	shalt  }
0x7a: {  	_ =	shalt  }
0x7b: {  	_ =	shalt  }
0x7c: {  	_ =	shalt  }
0x7d: {  	_ =	shalt  }
0x7e: {  	_ =	shalt  }
0x7f: {  	_ =	shalt  }
0x80: {  	_ =	shalt  }
0x81: {  	_ =	shalt  }
0x82: {  	_ =	shalt  }
0x83: {  	_ =	shalt  }
0x84: {  	_ =	shalt  }
0x85: {  	_ =	shalt  }
0x86: {  	_ =	shalt  }
0x87: {  	_ =	shalt  }
.Lfunc_end0:
.L_simem_size_0:
called_computation_lowered:
.L_overlay_start_0:
0x88: {  	s2 =	sld [smem:$0x3FD9]  }
0x89: {  	s3 =	sld [smem:$0x3FFE];
	_ =	sdelay $0x1  }
0x8a: {  	s1 =	srdreg.scid  }
0x8b: {  	s0 =	sand.u32 $0x1, s1  }
0x8c: {  	s17 =	sshll.u32 s0, $0xA;
	s2 =	sadd.s32 s3, s2  }
0x8d: {  	s2 =	sadd.s32 s2, s17  }
0x8e: {  	[smem:$0x3FC1] =	sst s2  }
0x8f: {  	_ = 	snop  }
0x90: {  	s2 =	sld [smem:$0x3FC9]  }
0x91: {  	s18 =	sld [smem:$0x3FC7]  }
0x92: {  	s4 =	sld [smem:$0x3FD0];
	(tm) =	ssettm $0x1  }
0x93: {  	s5 =	sld [smem:$0x3FFB];
	_ =	sdelay $0x3  }
0x94: {  	_ =	strace s5  }
0x95: {  	s5 =	sld [smem:$0x3FFC];
	_ =	sdelay $0x3  }
0x96: {  	_ =	strace s5  }
0x97: {  	s5 =	sld [smem:$0x3FFD];
	_ =	sdelay $0x3  }
0x98: {  	_ =	strace s5  }
0x99: {  	_ =	strace $0x8FFFFFFF  }
0x9a: {  	s19 =	sld [smem:$0x3FDB];
	_ =	sdelay $0x1  }
0x9b: {  	s6 =	simm.s32 $_scs_section_size  }
0x9c: {  	s7 =	simm.s32 $_size__tile_overlayer_lowered;
	s8 =	simm.s32 $_tile_overlayer_lowered  }
0x9d: {  	s22 =	simm.s32 $0x1BFF;
	s21 =	sshll.u32 s8, $0x1;
	s5 =	sadd.s32 s6, s19  }
0x9e: {  	s9 =	simm.s32 $0x0;
	s20 =	sshll.u32 s7, $0x1;
	s7 =	sadd.s32 s21, s5  }
0x9f: {  	[timem:s9], [sflag:s22] =	dma.local [hbm:s7], s20  }
0xa0: {  	_ =	swait.ge [sflag:s22], s20  }
0xa1: {  	s6 =	ssub.s32 $0x0, s20;
	[sflag:s22] =	ssyncset.done $0x0  }
0xa2: {  	[sflag:s22] =	ssyncadd.s32 s6;
	_ =	sdelay $0x1  }
0xa3: {  	s23 =	simm.s32 $0x1B8B  }
0xa4: {  	_ =	swait.ge [sflag:s23], $0x1  }
0xa5: {  	[sflag:s23] =	ssyncset.done $0x0  }
0xa6: {  	s25 =	simm.s32 $0x1B8E;
	s24 =	sld [smem:$0x3FFE];
	[sflag:s23] =	ssyncadd.s32 $0xFFFFFFFF  }
0xa7: {  	s26 =	simm.s32 $execute0_lowered;
	[smem:$0x3FD2] =	sst s25  }
0xa8: {  	s7 =	sshll.u32 s26, $0x1;
	_ =	strace $0x80000046;
	[dreg:$0x1] =	wrdreg $0xFFFFFFFF  }
0xa9: {  	s28 =	simm.s32 $_size_execute0_lowered;
	s5 =	sadd.s32 s5, s7;
	[dreg:$0x0] =	wrdreg $0x0  }
0xaa: {  	s7 =	sshll.u32 s28, $0x1;
	[dreg:$0x2] =	wrdreg s5  }
0xab: {  	[dreg:$0x3] =	wrdreg s7  }
0xac: {  	[dreg:$0x4] =	wrdreg $0xC0  }
0xad: {  	_ =	task [dreg:s9], $0x5FFFF  }
0xae: {  	[dreg:$0x1] =	wrdreg $0xFFFFFFFF  }
0xaf: {  	[dreg:$0x0] =	wrdreg $0x60  }
0xb0: {  	[dreg:$0x2] =	wrdreg s24  }
0xb1: {  	[dreg:$0x3] =	wrdreg s2  }
0xb2: {  	[dreg:$0x4] =	wrdreg s18  }
0xb3: {  	[dreg:$0x5] =	wrdreg s4  }
0xb4: {  	[dreg:$0x6] =	wrdreg $0xA9800  }
0xb5: {  	[dreg:$0x7] =	wrdreg $0x9  }
0xb6: {  	_ =	task.clear_ibuf [dreg:s9], $0x8FFFF;
	_ =	strace $0x90000046  }
0xb7: {  	s29 =	simm.s32 $0x9;
	_ =	strace $0x80000048  }
0xb8: {  	_ =	swait.ge [sflag:s29], $0x1  }
0xb9: {  	[sflag:s29] =	ssyncadd.s32 $0xFFFFFFFF  }
0xba: {  	_ =	strace $0x90000048  }
0xbb: {  	_ =	sfence  }
0xbc: {  	s30 =	sld [smem:$0x0];
	_ =	sdelay $0x2  }
0xbd: {  	s31 =	sshll.u32 s1, $0xD;
	s1 =	sshrl.u32 s1, $0x2  }
0xbe: {  	s3 =	sand.u32 $0x4000, s31;
	s1 =	sadd.s32 s1, s30  }
0xbf: {  	s0 =	sor.u32 s3, s0;
	s1 =	sshll.u32 s1, $0x11  }
0xc0: {  	s0 =	sor.u32 s1, s0  }
0xc1: {  	s0 =	sadd.s32 $0x8F2B, s0  }
0xc2: {  	[sflag:s0] =	ssyncadd.remote.s32 $0x1  }
0xc3: {  	_ =	sfence.sel $0xFFFF  }
0xc4: {  	[dreg:$0x0] =	wrdreg $0xFFFFFFFF;
	(pc) =	sbr.abs _section_cstart, $3  }
0xc5: {  	[dreg:$0x1] =	wrdreg $0xFFFFFFFF  }
0xc6: {  	_ =	task.clear_ibuf [dreg:s9], $0x2FFFF;
	_ =	strace $0x9FFFFFFF  }
0xc7: {  	(tm) =	ssettm $0x7FFFFFFF  }
tec
execute0_lowered:
.L_overlay_start_1:
0x0: {  	(tag) =	ssettag $0x1  }
0x1: {  	s0 =	rddreg [dreg:$0x0]  }
0x2: {  	s1 =	rddreg [dreg:$0x1]  }
0x3: {  	s2 =	srdreg.scid;
	s3 =	rddreg [dreg:$0x3]  }
0x4: {  	s28 =	stileid.u32;
	s29 =	simm.s32 $0x3;
	s30 =	simm.s32 $0x8100  }
0x5: {  	s31 =	simm.s32 $0x50;
	s2 =	sand.u32 $0x1, s2;
	s8 =	sadd.s32 $0x15200, s0  }
0x6: {  	s22 =	sshll.u32 s28, $0xE;
	s19 =	sor.u32 $0x40, s28;
	s0 =	sadd.s32 $0xB400, s0  }
0x7: {  	s4 =	ssub.s32 $0x2, s2;
	s5 =	sshll.u32 s2, $0x4;
	s7 =	smul.u32 $0x138800, s2  }
0x8: {  	s23 =	sor.u32 $0x40000, s22;
	s2 =	smul.u32 $0x27100, s2;
	s5 =	sor.u32 s28, s5  }
0x9: {  	s24 =	sor.u32 $0x80000, s22;
	s25 =	sor.u32 $0xC0000, s22;
	s18 =	smul.u32 $0xA, s5  }
0xa: {  	s26 =	sshll.u32 s19, $0xE;
	s10 =	smul.u32 $0x500, s5;
	s11 =	sor.u32 $0x20, s5  }
0xb: {  	p0 =	slt.u32 s19, $0x4E;
	s6 =	sshrl.u32 s4, $0x1;
	s21 =	smul.u32 $0xA, s11  }
0xc: {  	p2 =	sne.s32 @!p0 s28, $0xE;
	s12 =	sor.u32 $0x40, s5;
	s11 =	smul.u32 $0x500, s11  }
0xd: {  	s4 =	ssub.s32 s4, s6;
	s9 =	sshrl.u32 s7, $0x3;
	s13 =	smul.u32 $0xA, s12  }
0xe: {  	s20 =	sor.u32 $0x60, s5;
	p2 =	por p2, p0;
	s12 =	smul.u32 $0x500, s12  }
0xf: {  	s15 =	sadd.s32 s8, s9;
	s14 =	smul.u32 $0xA, s20;
	s6 =	sadd.s32 s1, s18  }
0x10: {  	s16 =	smul.u32 $0x500, s20;
	s10 =	sadd.s32 s3, s10;
	[dreg:$0x6] =	wrdreg s6  }
0x11: {  	p1 =	sgt.u32 s20, $0x7C;
	[dreg:$0x7] =	wrdreg s10;
	s9 =	sadd.s32 s1, s21  }
0x12: {  	s20 =	sadd.s32 $0x27000, s15;
	s17 =	sadd.s32 s3, s11;
	[dreg:$0x8] =	wrdreg s9  }
0x13: {  	s15 =	simm.s32 $0x8180;
	s18 =	sadd.s32 s1, s13;
	[dreg:$0x9] =	wrdreg s17  }
0x14: {  	s21 =	sadd.s32 s3, s12;
	s1 =	sadd.s32 s1, s14;
	[dreg:$0xa] =	wrdreg s18  }
0x15: {  	s6 =	sadd.s32 s3, s16;
	s10 =	sadd.s32 s7, s23;
	[dreg:$0xb] =	wrdreg s21  }
0x16: {  	s11 =	sadd.s32 s7, s24;
	s14 =	sadd.s32 s7, s25;
	[dreg:$0xc] =	wrdreg s1  }
0x17: {  	s16 =	sadd.s32 s7, s26;
	s3 =	simm.s32 $0x80;
	[dreg:$0xd] =	wrdreg s6  }
0x18: {  	s9 =	sadd.s32 s7, s22;
	s12 =	sshrl.u32 s10, $0x3;
	s18 =	smul.u32 $0x2710, s28  }
0x19: {  	s13 =	sshrl.u32 s11, $0x3;
	s17 =	sshrl.u32 s16, $0x3;
	s21 =	smul.u32 $0x2710, s5  }
0x1a: {  	s16 =	rddreg [dreg:$0x2];
	s5 =	simm.s32 $0x8080;
	s6 =	simm.s32 $0x0  }
0x1b: {  	s1 =	sshrl.u32 s9, $0x3;
	s11 =	sadd.s32 s8, s13;
	s13 =	sadd.s32 s8, s17  }
0x1c: {  	s1 =	sadd.s32 s8, s1;
	s2 =	sadd.s32 s18, s2;
	s18 =	rddreg [dreg:$0x4]  }
0x1d: {  	[dreg:$0xe] =	wrdreg s1;
	s1 =	sadd.s32 s8, s12;
	s2 =	sshrl.u32 s2, $0x3  }
0x1e: {  	s22 =	sadd.s32 s22, s18;
	s23 =	sadd.s32 s23, s18;
	s24 =	sadd.s32 s24, s18  }
0x1f: {  	s25 =	sadd.s32 s25, s18;
	s26 =	sadd.s32 s26, s18;
	s28 =	sadd.s32 $0x138000, s18  }
0x20: {  	[dreg:$0xf] =	wrdreg s1;
	s1 =	sshrl.u32 s14, $0x3;
	s14 =	simm.s32 $0x0  }
0x21: {  	s17 =	sadd.s32 s2, s0;
	s2 =	simm.s32 $0x8000;
	s12 =	sadd.s32 s8, s1  }
0x22: {  	[smem:$0x7FF] =	sst s14;
	s1 =	sshrl.u32 s21, $0x3;
	s21 =	smax.u32 s4, $0x1  }
0x23: {  	s4 =	simm.s32 $0x4000;
	s1 =	sadd.s32 s0, s1;
	_ =	strace $0x80000047  }
0x24: {  	v0 =	vimm.f32 $1.000000000e+00;
	v1 =	vimm.f32 $0.0e+00;
	s0 =	simm.s32 $0x1;
	s19 =	sadd.s32 $0x4E0, s1;
	s1 =	simm.s32 $0x2  }
.LBB2_1:
0x25: {  	s7 =	simm.s32 $0x0  }
.LBB2_2:
0x26: {  	p3 =	sne.s32 s7, $0xFE00  }
.Ltmp0:
0x27: {  	_ = 	snop;
	(pc) =	sbr.rel @p3 .LBB2_2-.Ltmp0, $3  }
0x28: {  	_ =	sdelay $0x1  }
0x29: {  	s8 =	sshra.s32 s7, $0x2  }
0x2a: {  	s7 =	sadd.s32 $0x200, s7;
	[tilespmem:s8+$0x4000] =	vst v0  }
0x2b: {  	s7 =	simm.s32 $0x200;
	s8 =	simm.s32 $0x0  }
.LBB2_4:
0x2c: {  	p3 =	sne.s32 s7, $0xFE00;
	[tilespmem:s8+$0x0] =	vst v1;
	s8 =	smov.u32 s7;
	s7 =	sadd.s32 $0x200, s7  }
.Ltmp1:
0x2d: {  	(pc) =	sbr.rel @p3 .LBB2_4-.Ltmp1, $2  }
0x2e: {  	_ =	sdelay $0x2  }
0x2f: {  	s8 =	sshra.s32 s8, $0x2  }
0x30: {  	[tilespmem:s8+$0x0] =	vst v1  }
0x31: {  	[spmem:s22] =	stream.linear.scatter [tilespmem:s14], [sflag:$0x3], $0x4000, $0x38;
	[tilespmem:$0xD090] =	vst v63  }
0x32: {  	_ =	swait.ge [sflag:s29], $0x4000  }
0x33: {  	[sflag:s29] =	ssyncset.done $0x0  }
0x34: {  	[sflag:s29] =	ssyncadd.s32 $0xFFFFC000  }
0x35: {  	[spmem:s23] =	stream.linear.scatter [tilespmem:s14], [sflag:$0x3], $0x4000, $0x38;
	[tilespmem:$0xD090] =	vst v63  }
0x36: {  	_ =	swait.ge [sflag:s29], $0x4000  }
0x37: {  	[sflag:s29] =	ssyncset.done $0x0  }
0x38: {  	[sflag:s29] =	ssyncadd.s32 $0xFFFFC000  }
0x39: {  	[spmem:s24] =	stream.linear.scatter [tilespmem:s14], [sflag:$0x3], $0x4000, $0x38;
	[tilespmem:$0xD090] =	vst v63  }
0x3a: {  	_ =	swait.ge [sflag:s29], $0x4000  }
0x3b: {  	[sflag:s29] =	ssyncset.done $0x0  }
0x3c: {  	[sflag:s29] =	ssyncadd.s32 $0xFFFFC000  }
0x3d: {  	[spmem:s25] =	stream.linear.scatter [tilespmem:s14], [sflag:$0x3], $0x4000, $0x38;
	[tilespmem:$0xD090] =	vst v63  }
0x3e: {  	_ =	swait.ge [sflag:s29], $0x4000  }
0x3f: {  	[sflag:s29] =	ssyncset.done $0x0  }
0x40: {  	s7 =	simm.s32 @p0 $0x0;
	[sflag:s29] =	ssyncadd.s32 $0xFFFFC000  }
0x41: {  	[spmem:s26] =	stream.linear.scatter @p0 [tilespmem:s7], [sflag:$0x3], $0x4000, $0x38;
	[tilespmem:$0xD090] =	vst v63  }
0x42: {  	s7 =	simm.s32 @p0 $0x3  }
0x43: {  	_ =	swait.ge @p0 [sflag:s7], $0x4000  }
0x44: {  	[sflag:s7] =	ssyncset.done @p0 $0x0  }
0x45: {  	[sflag:s7] =	ssyncadd.s32 @p0 $0xFFFFC000;
	s7 =	simm.s32 @!p2 $0x0  }
0x46: {  	[spmem:s28] =	stream.linear.scatter @!p2 [tilespmem:s7], [sflag:$0x2], $0x800, $0x38;
	[tilespmem:$0xD090] =	vst v63  }
0x47: {  	s7 =	simm.s32 @!p2 $0x2  }
0x48: {  	_ =	swait.ge @!p2 [sflag:s7], $0x800  }
0x49: {  	[sflag:s7] =	ssyncset.done @!p2 $0x0  }
0x4a: {  	[sflag:s7] =	ssyncadd.s32 @!p2 $0xFFFFF800  }
0x4b: {  	[bflag:$0x0] =	sbarrier.arrive $0xFFFF  }
0x4c: {  	s10 =	rddreg [dreg:$0x6]  }
0x4d: {  	[tilespmem:s30], [sflag:$0x3] =	stream.linear.gather [hbm4b:s10+s14], $0x50, $0x38;
	[tilespmem:$0xD090] =	vst v63  }
0x4e: {  	_ =	swait.ge [sflag:s29], $0x50  }
0x4f: {  	[sflag:s29] =	ssyncset.done $0x0  }
0x50: {  	[sflag:s29] =	ssyncadd.s32 $0xFFFFFFB0  }
0x51: {  	[tilespmem:s15], [sflag:$0x1] =	stream.indirect.gather [hbm4b:s16+s31], $0x80, s30, s31, $0xb8;
	[tilespmem:$0xD090] =	vst v63  }
0x52: {  	_ =	swait.ge [sflag:s0], $0x2800  }
0x53: {  	[sflag:s0] =	ssyncset.done $0x0  }
0x54: {  	s8 =	rddreg [dreg:$0x7];
	[sflag:s0] =	ssyncadd.s32 $0xFFFFD800  }
0x55: {  	[hbm4b:s8+s14] =	stream.linear.scatter [tilespmem:s15], [sflag:$0x2], $0x2800, $0x38;
	[tilespmem:$0xD090] =	vst v63  }
0x56: {  	_ =	swait.ge [sflag:s1], $0x2800  }
0x57: {  	[sflag:s1] =	ssyncset.done $0x0  }
0x58: {  	s9 =	rddreg [dreg:$0x8];
	[sflag:s1] =	ssyncadd.s32 $0xFFFFD800  }
0x59: {  	[tilespmem:s30], [sflag:$0x3] =	stream.linear.gather [hbm4b:s9+s14], $0x50, $0x38;
	[tilespmem:$0xD090] =	vst v63  }
0x5a: {  	_ =	swait.ge [sflag:s29], $0x50  }
0x5b: {  	[sflag:s29] =	ssyncset.done $0x0  }
0x5c: {  	[sflag:s29] =	ssyncadd.s32 $0xFFFFFFB0  }
0x5d: {  	[tilespmem:s15], [sflag:$0x1] =	stream.indirect.gather [hbm4b:s16+s31], $0x80, s30, s31, $0xb8;
	[tilespmem:$0xD090] =	vst v63  }
0x5e: {  	_ =	swait.ge [sflag:s0], $0x2800  }
0x5f: {  	[sflag:s0] =	ssyncset.done $0x0  }
0x60: {  	s10 =	rddreg [dreg:$0x9];
	[sflag:s0] =	ssyncadd.s32 $0xFFFFD800  }
0x61: {  	[hbm4b:s10+s14] =	stream.linear.scatter [tilespmem:s15], [sflag:$0x2], $0x2800, $0x38;
	[tilespmem:$0xD090] =	vst v63  }
0x62: {  	_ =	swait.ge [sflag:s1], $0x2800  }
0x63: {  	[sflag:s1] =	ssyncset.done $0x0  }
0x64: {  	s8 =	rddreg [dreg:$0xa];
	[sflag:s1] =	ssyncadd.s32 $0xFFFFD800  }
0x65: {  	[tilespmem:s30], [sflag:$0x3] =	stream.linear.gather [hbm4b:s8+s14], $0x50, $0x38;
	[tilespmem:$0xD090] =	vst v63  }
0x66: {  	_ =	swait.ge [sflag:s29], $0x50  }
0x67: {  	[sflag:s29] =	ssyncset.done $0x0  }
0x68: {  	[sflag:s29] =	ssyncadd.s32 $0xFFFFFFB0  }
0x69: {  	[tilespmem:s15], [sflag:$0x1] =	stream.indirect.gather [hbm4b:s16+s31], $0x80, s30, s31, $0xb8;
	[tilespmem:$0xD090] =	vst v63  }
0x6a: {  	_ =	swait.ge [sflag:s0], $0x2800  }
0x6b: {  	[sflag:s0] =	ssyncset.done $0x0  }
0x6c: {  	s9 =	rddreg [dreg:$0xb];
	[sflag:s0] =	ssyncadd.s32 $0xFFFFD800  }
0x6d: {  	[hbm4b:s9+s14] =	stream.linear.scatter [tilespmem:s15], [sflag:$0x2], $0x2800, $0x38;
	[tilespmem:$0xD090] =	vst v63  }
0x6e: {  	_ =	swait.ge [sflag:s1], $0x2800  }
0x6f: {  	s7 =	simm.s32 @!p1 $0x0;
	[sflag:s1] =	ssyncset.done $0x0  }
0x70: {  	s8 =	simm.s32 @!p1 $0x8100;
	s9 =	rddreg [dreg:$0xc];
	[sflag:s1] =	ssyncadd.s32 $0xFFFFD800  }
0x71: {  	[tilespmem:s8], [sflag:$0x3] =	stream.linear.gather @!p1 [hbm4b:s9+s7], $0x50, $0x38;
	[tilespmem:$0xD090] =	vst v63  }
0x72: {  	s9 =	simm.s32 @!p1 $0x3  }
0x73: {  	_ =	swait.ge @!p1 [sflag:s9], $0x50  }
0x74: {  	[sflag:s9] =	ssyncset.done @!p1 $0x0  }
0x75: {  	s10 =	simm.s32 @!p1 $0x8180;
	[sflag:s9] =	ssyncadd.s32 @!p1 $0xFFFFFFB0;
	s9 =	simm.s32 @!p1 $0x50  }
0x76: {  	[tilespmem:s10], [sflag:$0x1] =	stream.indirect.gather @!p1 [hbm4b:s16+s9], $0x80, s8, s9, $0xb8;
	[tilespmem:$0xD090] =	vst v63  }
0x77: {  	s8 =	simm.s32 @!p1 $0x1  }
0x78: {  	_ =	swait.ge @!p1 [sflag:s8], $0x2800  }
0x79: {  	[sflag:s8] =	ssyncset.done @!p1 $0x0  }
0x7a: {  	[sflag:s8] =	ssyncadd.s32 @!p1 $0xFFFFD800;
	s8 =	rddreg [dreg:$0xd]  }
0x7b: {  	[hbm4b:s8+s7] =	stream.linear.scatter @!p1 [tilespmem:s10], [sflag:$0x2], $0x2800, $0x38;
	[tilespmem:$0xD090] =	vst v63  }
0x7c: {  	s7 =	simm.s32 @!p1 $0x2  }
0x7d: {  	_ =	swait.ge @!p1 [sflag:s7], $0x2800  }
0x7e: {  	[sflag:s7] =	ssyncset.done @!p1 $0x0  }
0x7f: {  	s10 =	sadd.s32 $0x0, s17;
	[sflag:s7] =	ssyncadd.s32 @!p1 $0xFFFFD800  }
0x80: {  	[tilespmem:s2], [sflag:$0x2] =	stream.linear.gather [hbm4b:s10+s14], $0x80, $0x38;
	[tilespmem:$0xD090] =	vst v63  }
0x81: {  	_ =	swait.ge [sflag:s1], $0x80  }
0x82: {  	[sflag:s1] =	ssyncset.done $0x0  }
0x83: {  	[sflag:s1] =	ssyncadd.s32 $0xFFFFFF80  }
0x84: {  	[spmem:s18] =	stream.indirect.scatter.add.f32 [tilespmem:s4], [sflag:$0x2], $0x10, s2, s3, $0xb8;
	[tilespmem:$0xD090] =	vst v63  }
0x85: {  	_ =	swait.ge [sflag:s1], $0x800  }
0x86: {  	s8 =	simm.s32 $0x20;
	s7 =	simm.s32 $0x10;
	[sflag:s1] =	ssyncset.done $0x0  }
.LBB2_6:
0x87: {  	s9 =	sadd.s32 s7, s17  }
0x88: {  	[sflag:s1] =	ssyncadd.s32 $0xFFFFF800;
	s7 =	smov.u32 s8;
	s10 =	sadd.s32 $0x10, s8  }
0x89: {  	[tilespmem:s2], [sflag:$0x2] =	stream.linear.gather [hbm4b:s9+s14], $0x80, $0x38;
	[tilespmem:$0xD090] =	vst v63  }
0x8a: {  	p3 =	sne.s32 s8, $0x4D0;
	_ =	swait.ge [sflag:s1], $0x80  }
.Ltmp2:
0x8b: {  	[sflag:s1] =	ssyncset.done $0x0;
	(pc) =	sbr.rel @p3 .LBB2_6-.Ltmp2, $4  }
0x8c: {  	[sflag:s1] =	ssyncadd.s32 $0xFFFFFF80  }
0x8d: {  	[spmem:s18] =	stream.indirect.scatter.add.f32 [tilespmem:s4], [sflag:$0x2], $0x10, s2, s3, $0xb8;
	[tilespmem:$0xD090] =	vst v63  }
0x8e: {  	_ =	swait.ge [sflag:s1], $0x800  }
0x8f: {  	s8 =	smov.u32 s10;
	[sflag:s1] =	ssyncset.done $0x0  }
0x90: {  	s7 =	sadd.s32 s7, s17;
	[sflag:s1] =	ssyncadd.s32 $0xFFFFF800  }
0x91: {  	[tilespmem:s2], [sflag:$0x2] =	stream.linear.gather [hbm4b:s7+s14], $0x80, $0x38;
	[tilespmem:$0xD090] =	vst v63  }
0x92: {  	_ =	swait.ge [sflag:s1], $0x80  }
0x93: {  	[sflag:s1] =	ssyncset.done $0x0  }
0x94: {  	[sflag:s1] =	ssyncadd.s32 $0xFFFFFF80  }
0x95: {  	[spmem:s18] =	stream.indirect.scatter.add.f32 [tilespmem:s4], [sflag:$0x2], $0x10, s2, s3, $0xb8;
	[tilespmem:$0xD090] =	vst v63  }
0x96: {  	_ =	swait.ge [sflag:s1], $0x800  }
0x97: {  	[sflag:s1] =	ssyncset.done $0x0  }
0x98: {  	[sflag:s1] =	ssyncadd.s32 $0xFFFFF800  }
0x99: {  	[tilespmem:s5], [sflag:$0x2] =	stream.linear.gather [hbm4b:s19+s14], $0x10, $0x38;
	[tilespmem:$0xD090] =	vst v63  }
0x9a: {  	_ =	swait.ge [sflag:s1], $0x10  }
0x9b: {  	[sflag:s1] =	ssyncset.done $0x0  }
0x9c: {  	s10 =	simm.s32 $0x10;
	[sflag:s1] =	ssyncadd.s32 $0xFFFFFFF0  }
0x9d: {  	[spmem:s18] =	stream.indirect.scatter.add.f32 [tilespmem:s4], [sflag:$0x2], $0x10, s5, s10, $0xb8;
	[tilespmem:$0xD090] =	vst v63  }
0x9e: {  	_ =	swait.ge [sflag:s1], $0x100  }
0x9f: {  	[sflag:s1] =	ssyncset.done $0x0  }
0xa0: {  	s10 =	stileid.u32;
	[sflag:s1] =	ssyncadd.s32 $0xFFFFFF00  }
0xa1: {  	s8 =	sshll.u32 s10, $0x6;
	[bflag:$0x0] =	sbarrier.arrive $0xFFFF  }
0xa2: {  	s7 =	sor.u32 $0x1C03, s8;
	s8 =	sshrl.u32 s22, $0x3;
	s9 =	rddreg [dreg:$0xe]  }
0xa3: {  	[hbm:s9], [sflag:s7] =	dma.local [spmem:s8], $0x800  }
0xa4: {  	_ =	swait.ge [sflag:s29], $0x800  }
0xa5: {  	[sflag:s29] =	ssyncset.done $0x0  }
0xa6: {  	s8 =	sshrl.u32 s23, $0x3;
	s9 =	rddreg [dreg:$0xf];
	[sflag:s29] =	ssyncadd.s32 $0xFFFFF800  }
0xa7: {  	[hbm:s9], [sflag:s7] =	dma.local [spmem:s8], $0x800  }
0xa8: {  	_ =	swait.ge [sflag:s29], $0x800  }
0xa9: {  	[sflag:s29] =	ssyncset.done $0x0  }
0xaa: {  	s9 =	sshrl.u32 s24, $0x3;
	[sflag:s29] =	ssyncadd.s32 $0xFFFFF800  }
0xab: {  	[hbm:s11], [sflag:s7] =	dma.local [spmem:s9], $0x800  }
0xac: {  	_ =	swait.ge [sflag:s29], $0x800  }
0xad: {  	[sflag:s29] =	ssyncset.done $0x0  }
0xae: {  	s9 =	sshrl.u32 s25, $0x3;
	[sflag:s29] =	ssyncadd.s32 $0xFFFFF800  }
0xaf: {  	[hbm:s12], [sflag:s7] =	dma.local [spmem:s9], $0x800  }
0xb0: {  	_ =	swait.ge [sflag:s29], $0x800  }
0xb1: {  	[sflag:s29] =	ssyncset.done $0x0  }
0xb2: {  	s8 =	sshrl.u32 @p0 s26, $0x3;
	[sflag:s29] =	ssyncadd.s32 $0xFFFFF800  }
0xb3: {  	[hbm:s13], [sflag:s7] =	dma.local @p0 [spmem:s8], $0x800  }
0xb4: {  	s7 =	simm.s32 @p0 $0x3  }
0xb5: {  	s6 =	sadd.s32 $0x1, s6;
	_ =	swait.ge @p0 [sflag:s7], $0x800  }
0xb6: {  	p3 =	sne.s32 s6, s21;
	s8 =	sshll.u32 @!p2 s10, $0x6;
	[sflag:s7] =	ssyncset.done @p0 $0x0  }
0xb7: {  	[sflag:s7] =	ssyncadd.s32 @p0 $0xFFFFF800;
	s7 =	sor.u32 @!p2 $0x1C02, s8;
	s8 =	sshrl.u32 @!p2 s28, $0x3  }
0xb8: {  	[hbm:s20], [sflag:s7] =	dma.local @!p2 [spmem:s8], $0x100  }
.Ltmp3:
0xb9: {  	_ = 	snop;
	(pc) =	sbr.rel @p3 .LBB2_1-.Ltmp3, $4  }
0xba: {  	s7 =	simm.s32 @!p2 $0x2  }
0xbb: {  	_ =	swait.ge @!p2 [sflag:s7], $0x100  }
0xbc: {  	[sflag:s7] =	ssyncset.done @!p2 $0x0  }
0xbd: {  	s9 =	stileid.u32;
	[sflag:s7] =	ssyncadd.s32 @!p2 $0xFFFFFF00  }
0xbe: {  	_ =	sfence.sel $0x180000  }
0xbf: {  	[bflag:$0x0] =	sbarrier.arrive $0xFFFF  }
0xc0: {  	_ =	strace $0x90000047  }
0xc1: {  	[bflag:$0x2] =	sbarrier.arrive $0xFFFF  }
0xc2: {  	p0 =	sne.s32 s9, $0x0;
	s0 =	rddreg [dreg:$0x5]  }
0xc3: {  	s0 =	sadd.s32 @!p0 $0x100000, s0  }
0xc4: {  	[sflag:s0] =	ssyncadd.tile.s32 @!p0 $0x1;
	_ =	shalt  }
.Lfunc_end2:
_tile_overlayer_lowered:
.L_overlay_start_2:
0xc5: {  	(tag) =	ssettag $0x2  }
0xc6: {  	s0 =	rddreg [dreg:$0x0];
	s2 =	stileid.u32  }
0xc7: {  	s1 =	rddreg [dreg:$0x1];
	p0 =	sne.s32 s2, $0x0  }
0xc8: {  	s3 =	rddreg [dreg:$0x2];
	[bflag:$0x3] =	sbarrier.arrive $0xFFFF;
	s2 =	simm.s32 @!p0 $0x1C02  }
0xc9: {  	[timem:s3], [sflag:s2] =	dma.local @!p0 [hbm:s0], s1  }
0xca: {  	s0 =	simm.s32 @!p0 $0x2  }
0xcb: {  	_ =	swait.ge @!p0 [sflag:s0], s1  }
0xcc: {  	s1 =	ssub.s32 @!p0 $0x0, s1;
	[sflag:s0] =	ssyncset.done @!p0 $0x0  }
0xcd: {  	[sflag:s0] =	ssyncadd.s32 @!p0 s1  }
0xce: {  	[bflag:$0x3] =	sbarrier.arrive $0xFFFF  }
0xcf: {  	_ =	shalt  }

</sc_bundles>
